<compile_context>
chip_gen: v7x
topology: tpu7x:2x2x1
jax: 0.10.2.dev20260603
libtpu: 0.0.44.dev20260713+nightly
codegen_flags: <defaults>
</compile_context>

<pallas_src>
import functools

import jax
import jax.numpy as jnp
from jax import lax
from jax.experimental import pallas as pl
from jax.experimental.pallas import tpu as pltpu
from jax.experimental.pallas import tpu_sc as plsc

_B = 1024
_D = 64
_N = 100000
_C = 2000
_CP = 2048
_TEMP = 0.05
_TOPP = 0.1
_NC = 2
_NS = 16
_NW = _NC * _NS
_RPT = _N // _NW
_CH = 125
_NCH = _RPT // _CH
_CW = 16
_RB = 1024
_NRB = _B // _RB


def _sc_stage(features, labels3, z64):
    mesh = plsc.VectorSubcoreMesh(
        core_axis_name="c", subcore_axis_name="s",
        num_cores=_NC, num_subcores=_NS)

    @functools.partial(
        pl.kernel,
        out_type=(
            jax.ShapeDtypeStruct((_NC, _CP, _D), jnp.float32),
            jax.ShapeDtypeStruct((_NC, _NS, _CP), jnp.float32),
        ),
        mesh=mesh,
        compiler_params=pltpu.CompilerParams(use_tc_tiling_on_sc=False,
                                             needs_layout_passes=False),
        scratch_types=[
            pltpu.VMEM((_CH, _D), jnp.float32),
            pltpu.VMEM((_CH, _D), jnp.float32),
            pltpu.VMEM((_NCH, _CH), jnp.int32),
            pltpu.VMEM((_CP,), jnp.float32),
            pltpu.VMEM_SHARED((_CP, _D), jnp.float32),
            pltpu.SemaphoreType.DMA,
            pltpu.SemaphoreType.DMA,
        ],
    )
    def k(feat_hbm, lab3_hbm, z64_hbm,
          acc_out, cnt_out,
          rows0_v, rows1_v, labs_v, hist_v, acc_sh, sem0, sem1):
        c = lax.axis_index("c")
        s = lax.axis_index("s")
        wid = c * _NS + s
        base = wid * _RPT
        bufs = (rows0_v, rows1_v)
        sems = (sem0, sem1)

        @pl.when(s == 0)
        def _init():
            pltpu.sync_copy(z64_hbm, acc_sh)

        pltpu.sync_copy(lab3_hbm.at[wid], labs_v)

        zer16 = jnp.zeros((16,), jnp.float32)

        def hz(kk, carry):
            hist_v[pl.ds(kk * 16, 16)] = zer16
            return carry

        lax.fori_loop(0, _CP // 16, hz, 0)
        plsc.subcore_barrier()

        def dma_start(j, b):
            pltpu.async_copy(feat_hbm.at[pl.ds(base + j * _CH, _CH)],
                             bufs[b], sems[b])

        def dma_wait(b):
            pltpu.make_async_copy(feat_hbm.at[pl.ds(0, _CH)],
                                  bufs[b], sems[b]).wait()

        one16 = jnp.ones((16,), jnp.float32)
        lane = lax.iota(jnp.int32, 16)
        tailmask = lane >= (16 - (_CH - (_CH // 16) * 16))

        def scat(j, b):
            pltpu.sync_copy(bufs[b], acc_sh.at[labs_v.at[j]], add=True)
            for kk in range(_CH // 16):
                lab16 = labs_v[j, pl.ds(kk * 16, 16)]
                plsc.addupdate_scatter(hist_v, [lab16], one16)
            lab16 = labs_v[j, pl.ds(_CH - 16, 16)]
            plsc.addupdate_scatter(hist_v, [lab16], one16, mask=tailmask)

        dma_start(0, 0)

        def pipe(i, carry):
            j = i * 2
            dma_wait(0)
            dma_start(j + 1, 1)
            scat(j, 0)
            dma_wait(1)
            dma_start(j + 2, 0)
            scat(j + 1, 1)
            return carry

        lax.fori_loop(0, (_NCH - 1) // 2, pipe, 0)
        dma_wait(0)
        scat(_NCH - 1, 0)
        plsc.subcore_barrier()

        @pl.when(s == 0)
        def _writeout():
            pltpu.sync_copy(acc_sh, acc_out.at[c])

        pltpu.sync_copy(hist_v, cnt_out.at[c, s])

    return k(features, labels3, z64)


def _sc_targets(labels, indexes):
    mesh = plsc.VectorSubcoreMesh(
        core_axis_name="c", subcore_axis_name="s",
        num_cores=_NC, num_subcores=_NS)

    @functools.partial(
        pl.kernel,
        out_type=jax.ShapeDtypeStruct((_B,), jnp.int32),
        mesh=mesh,
        compiler_params=pltpu.CompilerParams(use_tc_tiling_on_sc=False,
                                             needs_layout_passes=False),
        scratch_types=[
            pltpu.VMEM((_N,), jnp.int32),
            pltpu.VMEM((_B,), jnp.int32),
            pltpu.VMEM((_B // 2,), jnp.int32),
        ],
    )
    def k(lab_hbm, idx_hbm, tgt_out, laball_v, idxs_v, tgt_v):
        c = lax.axis_index("c")
        s = lax.axis_index("s")

        @pl.when(s == 0)
        def _gather():
            half = _B // 2
            pltpu.sync_copy(lab_hbm, laball_v)
            pltpu.sync_copy(idx_hbm, idxs_v)

            def gath(i, carry):
                idx16 = idxs_v[pl.ds(c * half + i * 16, 16)]
                tgt_v[pl.ds(i * 16, 16)] = plsc.load_gather(laball_v, [idx16])
                return carry

            lax.fori_loop(0, half // 16, gath, 0)
            pltpu.sync_copy(tgt_v, tgt_out.at[pl.ds(c * half, half)])

    return k(labels, indexes)


def _tc_body(res_ref, acc_ref, cnt_ref, tgt_ref, out_ref, en_ref):
    i = pl.program_id(0)

    @pl.when(i == 0)
    def _zero():
        out_ref[0, 0] = 0.0

    x = res_ref[...]
    x = x / jnp.maximum(jnp.sqrt(jnp.sum(x * x, axis=1, keepdims=True)), 1e-12)
    csum = acc_ref[0] + acc_ref[1]
    cnt3 = jnp.sum(cnt_ref[...], axis=1, keepdims=True)
    cnt = cnt3[0] + cnt3[1]
    sim = lax.dot_general(x, csum, (((1,), (1,)), ((), ())),
                          preferred_element_type=jnp.float32)
    sim = sim / (_TEMP * jnp.maximum(cnt, 1.0))
    cidx = lax.broadcasted_iota(jnp.int32, (1, _CP), 1)
    maskc = jnp.logical_and(cnt > 0.0, cidx < _C)
    e = jnp.where(maskc, jnp.exp(sim), 0.0)
    col = lax.broadcasted_iota(jnp.int32, (_RB, _CP), 1)
    is_pos = col == tgt_ref[...]
    pos = jnp.sum(jnp.where(is_pos, e, 0.0), axis=1, keepdims=True)
    en = jnp.where(is_pos, 0.0, e)
    en_ref[...] = en
    total = jnp.sum(en, axis=1, keepdims=True)
    p_total = _TOPP * total

    hi0 = lax.bitcast_convert_type(jnp.max(en, axis=1, keepdims=True),
                                   jnp.int32) + 1
    lo0 = jnp.full_like(hi0, 822251815)

    def bis(_, carry):
        lo, hi = carry
        mid = lo + (hi - lo) // 2
        v = en_ref[...]
        vb = lax.bitcast_convert_type(v, jnp.int32)
        g = jnp.sum(jnp.where(vb >= mid, v, 0.0), axis=1, keepdims=True)
        pred = g > p_total
        return jnp.where(pred, mid, lo), jnp.where(pred, hi, mid)

    lo, hi = lax.fori_loop(0, 29, bis, (lo0, hi0))

    en2 = en_ref[...]
    enb = lax.bitcast_convert_type(en2, jnp.int32)
    geA = enb >= hi
    cumA = jnp.sum(jnp.where(geA, en2, 0.0), axis=1, keepdims=True)
    cntA = jnp.sum(jnp.where(geA, 1.0, 0.0), axis=1, keepdims=True)
    e_next = jnp.max(jnp.where(geA, 0.0, en2), axis=1, keepdims=True)
    cumB = cumA + e_next
    chooseA = jnp.logical_and(cntA >= 1.0,
                              jnp.abs(cumA - p_total) <= jnp.abs(cumB - p_total))
    s_thr = jnp.where(chooseA, cumA, cumB)

    val = pos / (pos + s_thr + 1e-6)
    logp = jnp.log(val + 1e-6)
    out_ref[0, 0] += jnp.sum(logp)

    @pl.when(i == _NRB - 1)
    def _fin():
        out_ref[0, 0] = -out_ref[0, 0] / _B


def _tc_stage(results, acc, cnt2, targets2):
    out = pl.pallas_call(
        _tc_body,
        grid=(_NRB,),
        in_specs=[
            pl.BlockSpec((_RB, _D), lambda i: (i, 0)),
            pl.BlockSpec((_NC, _CP, _D), lambda i: (0, 0, 0)),
            pl.BlockSpec((_NC, _NS, _CP), lambda i: (0, 0, 0)),
            pl.BlockSpec((_RB, 1), lambda i: (i, 0)),
        ],
        out_specs=pl.BlockSpec((1, 1), lambda i: (0, 0),
                               memory_space=pltpu.SMEM),
        out_shape=jax.ShapeDtypeStruct((1, 1), jnp.float32),
        scratch_shapes=[pltpu.VMEM((_RB, _CP), jnp.float32)],
    )(results, acc, cnt2, targets2)
    return out


def kernel(results, indexes, features, labels):
    labels3 = labels.reshape(_NW, _NCH, _CH)
    z64 = jnp.zeros((_CP, _D), jnp.float32)
    acc, cnt = _sc_stage(features, labels3, z64)
    tgt = _sc_targets(labels, indexes.astype(jnp.int32))
    targets2 = tgt.reshape(_B, 1)
    out = _tc_stage(results, acc, cnt, targets2)
    return out.reshape(())

# --- scband reference (transcript-rebuilt; emitter-appended) ---
"""Pipeline reference for scband-hybrid-memory-multi-focal-percent-8186207666550 (READ-ONLY COPY).

The authoritative reference and input builder live on the scoring server;
editing this copy changes nothing except your own understanding.
"""

import jax, jax.numpy as jnp
import numpy as np

B = 1024
NUM_FEATURES = 64
NUM_MEMORY = 100000
NUM_CLUSTERS = 2000
TEMP = 0.05
TOP_PERCENT = 0.1


def _l2norm(x, axis=1):
    n = jnp.linalg.norm(x, axis=axis, keepdims=True)
    return x / jnp.maximum(n, 1e-12)


def setup_inputs(seed: int = 0) -> dict:
    key = jax.random.key(seed)
    k1, k2, k3, k4 = jax.random.split(key, 4)
    results = jax.random.normal(k1, (B, NUM_FEATURES), dtype=jnp.float32)
    indexes = jax.random.randint(k2, (B,), 0, NUM_MEMORY, dtype=jnp.int32)
    features = _l2norm(jax.random.normal(k3, (NUM_MEMORY, NUM_FEATURES), dtype=jnp.float32))
    labels = jax.random.randint(k4, (NUM_MEMORY,), 0, NUM_CLUSTERS, dtype=jnp.int32)
    return {"results": results, "indexes": indexes, "features": features, "labels": labels}


def _masked_softmax_multi_focal(vec, mask, targets, top_percent, epsilon=1e-6):
    Bq, C = vec.shape
    exps = jnp.exp(vec)
    one_hot_pos = jax.nn.one_hot(targets, C, dtype=exps.dtype)
    one_hot_neg = 1.0 - one_hot_pos
    masked_exps = exps * mask
    neg_exps = jnp.where(one_hot_neg > 0, masked_exps, 0.0)
    ori_neg_exps = neg_exps
    neg_norm = neg_exps / jnp.sum(neg_exps, axis=1, keepdims=True)
    new_exps_pos = jnp.where(one_hot_pos > 0, masked_exps, 0.0)
    sorted_desc = -jnp.sort(-neg_norm, axis=1)
    cum = jnp.cumsum(sorted_desc, axis=1)
    idx = jnp.argmin(jnp.abs(cum - top_percent), axis=1)
    ori_neg_sum = jnp.sum(ori_neg_exps, axis=1, keepdims=True)
    min_values = sorted_desc[jnp.arange(Bq), idx][:, None] * ori_neg_sum
    thr = jnp.where(ori_neg_exps < min_values, 0.0, ori_neg_exps)
    new_exps = new_exps_pos + jnp.where(one_hot_neg > 0, thr, 0.0)
    masked_sums = jnp.sum(new_exps, axis=1, keepdims=True) + epsilon
    return new_exps / masked_sums


def reference(results, indexes, features, labels):
    inputs = _l2norm(results)
    logits = (inputs @ features.T) / TEMP
    num_clusters = NUM_CLUSTERS
    sim = jax.ops.segment_sum(logits.T, labels, num_segments=num_clusters)
    nums = jax.ops.segment_sum(jnp.ones((labels.shape[0], 1), jnp.float32), labels, num_segments=num_clusters)
    mask = (nums > 0).astype(jnp.float32)
    sim = sim / (mask * nums + (1.0 - mask))
    mask_full = jnp.broadcast_to(mask, sim.shape)
    targets = labels[indexes]
    masked_sim = _masked_softmax_multi_focal(sim.T, mask_full.T, targets, TOP_PERCENT)
    logp = jnp.log(masked_sim + 1e-6)
    loss = -jnp.mean(logp[jnp.arange(results.shape[0]), targets])
    return loss

if __name__ == "__main__":
    import jax
    _d = setup_inputs()
    print(jax.jit(kernel)(*tuple(_d.values())))

</pallas_src>

<mosaic_0001>
#map = affine_map<(d0, d1) -> (0)>
module attributes {stable_mosaic.version = 14 : i64} {
  func.func @k(%arg0: i32, %arg1: i32, %arg2: memref<100000xi32, #tpu.memory_space<hbm>>, %arg3: memref<1024xi32, #tpu.memory_space<hbm>>, %arg4: memref<1024xi32, #tpu.memory_space<hbm>>, %arg5: memref<100000xi32, #tpu.memory_space<vmem>>, %arg6: memref<1024xi32, #tpu.memory_space<vmem>>, %arg7: memref<512xi32, #tpu.memory_space<vmem>>) attributes {dimension_semantics = [#tpu.dimension_semantics<core_parallel>, #tpu.dimension_semantics<subcore_parallel>], iteration_bounds = array<i64: 2, 16>, scalar_prefetch = 0 : i64, scratch_operands = 3 : i64, tpu.core_type = #tpu.core_type<sc_vector_subcore>, window_params = [{transform_indices = #map}, {transform_indices = #map}, {transform_indices = #map}]} {
    %eq3A = arith.constant 0 : i32
    %eq3A_0 = arith.cmpi eq, %arg1, %eq3A : i32
    %convert_element_type3A = arith.extui %eq3A_0 : i1 to i32
    %cond3A = arith.constant 0 : i32
    %cond3A_1 = arith.cmpi ne, %convert_element_type3A, %cond3A : i32
    scf.if %cond3A_1 {
      "tpu.region"() ({
        %run_scoped3A = tpu.sem_alloc : memref<!tpu.dma_semaphore, #tpu.memory_space<semaphore_mem>>
        tpu.enqueue_dma source(%arg2 : memref<100000xi32, #tpu.memory_space<hbm>>) target(%arg5 : memref<100000xi32, #tpu.memory_space<vmem>>) target_semaphore(%run_scoped3A : memref<!tpu.dma_semaphore, #tpu.memory_space<semaphore_mem>>)
        tpu.wait_dma2 semaphore(%run_scoped3A : memref<!tpu.dma_semaphore, #tpu.memory_space<semaphore_mem>>) src(%arg2 : memref<100000xi32, #tpu.memory_space<hbm>>) dst(%arg5 : memref<100000xi32, #tpu.memory_space<vmem>>)
        tpu.yield
      }) : () -> ()
      "tpu.region"() ({
        %run_scoped3A = tpu.sem_alloc : memref<!tpu.dma_semaphore, #tpu.memory_space<semaphore_mem>>
        tpu.enqueue_dma source(%arg3 : memref<1024xi32, #tpu.memory_space<hbm>>) target(%arg6 : memref<1024xi32, #tpu.memory_space<vmem>>) target_semaphore(%run_scoped3A : memref<!tpu.dma_semaphore, #tpu.memory_space<semaphore_mem>>)
        tpu.wait_dma2 semaphore(%run_scoped3A : memref<!tpu.dma_semaphore, #tpu.memory_space<semaphore_mem>>) src(%arg3 : memref<1024xi32, #tpu.memory_space<hbm>>) dst(%arg6 : memref<1024xi32, #tpu.memory_space<vmem>>)
        tpu.yield
      }) : () -> ()
      %scan3A = arith.constant 0 : i32
      %scan3A_2 = arith.constant 0 : i32
      %scan3A_3 = arith.constant 32 : i32
      %scan3A_4 = arith.addi %scan3A_2, %scan3A_3 : i32
      %scan3A_5 = arith.constant 1 : i32
      scf.for %scan3A_8 = %scan3A_2 to %scan3A_4 step %scan3A_5  : i32 {
        %mul3A_9 = arith.constant 512 : i32
        %mul3A_10 = arith.muli %arg0, %mul3A_9 : i32
        %mul3A_11 = arith.constant 16 : i32
        %mul3A_12 = arith.muli %scan3A_8, %mul3A_11 : i32
        %add3A = arith.addi %mul3A_10, %mul3A_12 : i32
        %get3A = arith.index_cast %add3A : i32 to index
        %get3A_13 = tpu.vector_load %arg6[%get3A] {strides = array<i32>} : memref<1024xi32, #tpu.memory_space<vmem>>, vector<16xi32>,
        %gather3A = tpu.vector_load_idx %arg5[%get3A_13] : memref<100000xi32, #tpu.memory_space<vmem>>[vector<16xi32>], vector<16xi32>,
        %mul3A_14 = arith.constant 16 : i32
        %mul3A_15 = arith.muli %scan3A_8, %mul3A_14 : i32
        %swap3A = arith.index_cast %mul3A_15 : i32 to index
        %swap3A_16 = tpu.vector_load %arg7[%swap3A] {strides = array<i32>} : memref<512xi32, #tpu.memory_space<vmem>>, vector<16xi32>,
        tpu.vector_store %arg7[%swap3A], %gather3A {strides = array<i32>} : memref<512xi32, #tpu.memory_space<vmem>>, vector<16xi32>,
      }
      %scan3A_6 = arith.constant 32 : i32
      %mul3A = arith.constant 512 : i32
      %mul3A_7 = arith.muli %arg0, %mul3A : i32
      "tpu.region"() ({
        %run_scoped3A = tpu.sem_alloc : memref<!tpu.dma_semaphore, #tpu.memory_space<semaphore_mem>>
        %dma_start3A = tpu.memref_slice %arg4[%mul3A_7] : memref<1024xi32, #tpu.memory_space<hbm>> -> memref<512xi32, #tpu.memory_space<hbm>>
        %dma_start3A_8 = tpu.memref_slice %arg4[%mul3A_7] : memref<1024xi32, #tpu.memory_space<hbm>> -> memref<512xi32, #tpu.memory_space<hbm>>
        tpu.enqueue_dma source(%arg7 : memref<512xi32, #tpu.memory_space<vmem>>) target(%dma_start3A_8 : memref<512xi32, #tpu.memory_space<hbm>>) target_semaphore(%run_scoped3A : memref<!tpu.dma_semaphore, #tpu.memory_space<semaphore_mem>>)
        %dma_wait3A = tpu.memref_slice %arg4[%mul3A_7] : memref<1024xi32, #tpu.memory_space<hbm>> -> memref<512xi32, #tpu.memory_space<hbm>>
        %dma_wait3A_9 = tpu.memref_slice %arg4[%mul3A_7] : memref<1024xi32, #tpu.memory_space<hbm>> -> memref<512xi32, #tpu.memory_space<hbm>>
        tpu.wait_dma2 semaphore(%run_scoped3A : memref<!tpu.dma_semaphore, #tpu.memory_space<semaphore_mem>>) src(%arg7 : memref<512xi32, #tpu.memory_space<vmem>>) dst(%dma_wait3A_9 : memref<512xi32, #tpu.memory_space<hbm>>)
        tpu.yield
      }) : () -> ()
    } else {
    }
    return
  }
}

#map = affine_map<(d0, d1) -> (0, 0)>
#map1 = affine_map<(d0, d1) -> (0, 0, 0)>
module attributes {stable_mosaic.version = 14 : i64} {
  func.func @k(%arg0: i32, %arg1: i32, %arg2: memref<100000x64xf32, #tpu.memory_space<hbm>>, %arg3: memref<32x25x125xi32, #tpu.memory_space<hbm>>, %arg4: memref<2048x64xf32, #tpu.memory_space<hbm>>, %arg5: memref<2x2048x64xf32, #tpu.memory_space<hbm>>, %arg6: memref<2x16x2048xf32, #tpu.memory_space<hbm>>, %arg7: memref<125x64xf32, #tpu.memory_space<vmem>>, %arg8: memref<125x64xf32, #tpu.memory_space<vmem>>, %arg9: memref<25x125xi32, #tpu.memory_space<vmem>>, %arg10: memref<2048xf32, #tpu.memory_space<vmem>>, %arg11: memref<2048x64xf32, #tpu.memory_space<vmem_shared>>, %arg12: memref<!tpu.dma_semaphore, #tpu.memory_space<semaphore_mem>>, %arg13: memref<!tpu.dma_semaphore, #tpu.memory_space<semaphore_mem>>) attributes {dimension_semantics = [#tpu.dimension_semantics<core_parallel>, #tpu.dimension_semantics<subcore_parallel>], iteration_bounds = array<i64: 2, 16>, scalar_prefetch = 0 : i64, scratch_operands = 7 : i64, tpu.core_type = #tpu.core_type<sc_vector_subcore>, window_params = [{transform_indices = #map}, {transform_indices = #map1}, {transform_indices = #map}, {transform_indices = #map1}, {transform_indices = #map1}]} {
    %mul3A = arith.constant 16 : i32
    %mul3A_0 = arith.muli %arg0, %mul3A : i32
    %add3A = arith.addi %mul3A_0, %arg1 : i32
    %mul3A_1 = arith.constant 3125 : i32
    %mul3A_2 = arith.muli %add3A, %mul3A_1 : i32
    %eq3A = arith.constant 0 : i32
    %eq3A_3 = arith.cmpi eq, %arg1, %eq3A : i32
    %convert_element_type3A = arith.extui %eq3A_3 : i1 to i32
    %cond3A = arith.constant 0 : i32
    %cond3A_4 = arith.cmpi ne, %convert_element_type3A, %cond3A : i32
    scf.if %cond3A_4 {
      "tpu.region"() ({
        %run_scoped3A_68 = tpu.sem_alloc : memref<!tpu.dma_semaphore, #tpu.memory_space<semaphore_mem>>
        tpu.enqueue_dma source(%arg4 : memref<2048x64xf32, #tpu.memory_space<hbm>>) target(%arg11 : memref<2048x64xf32, #tpu.memory_space<vmem_shared>>) target_semaphore(%run_scoped3A_68 : memref<!tpu.dma_semaphore, #tpu.memory_space<semaphore_mem>>)
        tpu.wait_dma2 semaphore(%run_scoped3A_68 : memref<!tpu.dma_semaphore, #tpu.memory_space<semaphore_mem>>) src(%arg4 : memref<2048x64xf32, #tpu.memory_space<hbm>>) dst(%arg11 : memref<2048x64xf32, #tpu.memory_space<vmem_shared>>)
        tpu.yield
      }) : () -> ()
    } else {
    }
    "tpu.region"() ({
      %run_scoped3A_68 = tpu.sem_alloc : memref<!tpu.dma_semaphore, #tpu.memory_space<semaphore_mem>>
      %dma_start3A_69 = arith.constant 0 : i32
      %dma_start3A_70 = arith.constant 0 : i32
      %dma_start3A_71 = tpu.memref_slice %arg3[%add3A, %dma_start3A_69, %dma_start3A_70] : memref<32x25x125xi32, #tpu.memory_space<hbm>> -> memref<1x25x125xi32, #tpu.memory_space<hbm>>
      %dma_start3A_72 = tpu.memref_squeeze %dma_start3A_71 : memref<1x25x125xi32, #tpu.memory_space<hbm>> -> memref<25x125xi32, #tpu.memory_space<hbm>>
      %dma_start3A_73 = arith.constant 0 : i32
      %dma_start3A_74 = arith.constant 0 : i32
      %dma_start3A_75 = tpu.memref_slice %arg3[%add3A, %dma_start3A_73, %dma_start3A_74] : memref<32x25x125xi32, #tpu.memory_space<hbm>> -> memref<1x25x125xi32, #tpu.memory_space<hbm>>
      %dma_start3A_76 = tpu.memref_squeeze %dma_start3A_75 : memref<1x25x125xi32, #tpu.memory_space<hbm>> -> memref<25x125xi32, #tpu.memory_space<hbm>>
      tpu.enqueue_dma source(%dma_start3A_76 : memref<25x125xi32, #tpu.memory_space<hbm>>) target(%arg9 : memref<25x125xi32, #tpu.memory_space<vmem>>) target_semaphore(%run_scoped3A_68 : memref<!tpu.dma_semaphore, #tpu.memory_space<semaphore_mem>>)
      %dma_wait3A_77 = arith.constant 0 : i32
      %dma_wait3A_78 = arith.constant 0 : i32
      %dma_wait3A_79 = tpu.memref_slice %arg3[%add3A, %dma_wait3A_77, %dma_wait3A_78] : memref<32x25x125xi32, #tpu.memory_space<hbm>> -> memref<1x25x125xi32, #tpu.memory_space<hbm>>
      %dma_wait3A_80 = tpu.memref_squeeze %dma_wait3A_79 : memref<1x25x125xi32, #tpu.memory_space<hbm>> -> memref<25x125xi32, #tpu.memory_space<hbm>>
      %dma_wait3A_81 = arith.constant 0 : i32
      %dma_wait3A_82 = arith.constant 0 : i32
      %dma_wait3A_83 = tpu.memref_slice %arg3[%add3A, %dma_wait3A_81, %dma_wait3A_82] : memref<32x25x125xi32, #tpu.memory_space<hbm>> -> memref<1x25x125xi32, #tpu.memory_space<hbm>>
      %dma_wait3A_84 = tpu.memref_squeeze %dma_wait3A_83 : memref<1x25x125xi32, #tpu.memory_space<hbm>> -> memref<25x125xi32, #tpu.memory_space<hbm>>
      tpu.wait_dma2 semaphore(%run_scoped3A_68 : memref<!tpu.dma_semaphore, #tpu.memory_space<semaphore_mem>>) src(%dma_wait3A_84 : memref<25x125xi32, #tpu.memory_space<hbm>>) dst(%arg9 : memref<25x125xi32, #tpu.memory_space<vmem>>)
      tpu.yield
    }) : () -> ()
    %broadcast_in_dim3A = arith.constant 0.000000e+00 : f32
    %broadcast_in_dim3A_5 = vector.broadcast %broadcast_in_dim3A : f32 to vector<16xf32>
    %scan3A = arith.constant 0 : i32
    %scan3A_6 = arith.constant 0 : i32
    %scan3A_7 = arith.constant 128 : i32
    %scan3A_8 = arith.addi %scan3A_6, %scan3A_7 : i32
    %scan3A_9 = arith.constant 1 : i32
    scf.for %scan3A_68 = %scan3A_6 to %scan3A_8 step %scan3A_9  : i32 {
      %mul3A_69 = arith.constant 16 : i32
      %mul3A_70 = arith.muli %scan3A_68, %mul3A_69 : i32
      %swap3A = arith.index_cast %mul3A_70 : i32 to index
      %swap3A_71 = tpu.vector_load %arg10[%swap3A] {strides = array<i32>} : memref<2048xf32, #tpu.memory_space<vmem>>, vector<16xf32>,
      tpu.vector_store %arg10[%swap3A], %broadcast_in_dim3A_5 {strides = array<i32>} : memref<2048xf32, #tpu.memory_space<vmem>>, vector<16xf32>,
    }
    %scan3A_10 = arith.constant 128 : i32
    %barrier3A = arith.constant 0 : index
    tpu.barrier barrier_id(%barrier3A)
    %broadcast_in_dim3A_11 = arith.constant 1.000000e+00 : f32
    %broadcast_in_dim3A_12 = vector.broadcast %broadcast_in_dim3A_11 : f32 to vector<16xf32>
    %iota3A = tpu.iota {dimensions = array<i32: 0>} : vector<16xi32>
    %ge3A = arith.constant 3 : i32
    %ge3A_13 = vector.broadcast %ge3A : i32 to vector<16xi32>
    %ge3A_14 = arith.cmpi sge, %iota3A, %ge3A_13 : vector<16xi32>
    %add3A_15 = arith.constant 0 : i32
    %add3A_16 = arith.addi %mul3A_2, %add3A_15 : i32
    %dma_start3A = arith.constant 0 : i32
    %dma_start3A_17 = tpu.memref_slice %arg2[%add3A_16, %dma_start3A] : memref<100000x64xf32, #tpu.memory_space<hbm>> -> memref<125x64xf32, #tpu.memory_space<hbm>>
    %dma_start3A_18 = arith.constant 0 : i32
    %dma_start3A_19 = tpu.memref_slice %arg2[%add3A_16, %dma_start3A_18] : memref<100000x64xf32, #tpu.memory_space<hbm>> -> memref<125x64xf32, #tpu.memory_space<hbm>>
    tpu.enqueue_dma source(%dma_start3A_19 : memref<125x64xf32, #tpu.memory_space<hbm>>) target(%arg7 : memref<125x64xf32, #tpu.memory_space<vmem>>) target_semaphore(%arg12 : memref<!tpu.dma_semaphore, #tpu.memory_space<semaphore_mem>>)
    %scan3A_20 = arith.constant 0 : i32
    %scan3A_21 = arith.constant 0 : i32
    %scan3A_22 = arith.constant 12 : i32
    %scan3A_23 = arith.addi %scan3A_21, %scan3A_22 : i32
    %scan3A_24 = arith.constant 1 : i32
    scf.for %scan3A_68 = %scan3A_21 to %scan3A_23 step %scan3A_24  : i32 {
      %mul3A_69 = arith.constant 2 : i32
      %mul3A_70 = arith.muli %scan3A_68, %mul3A_69 : i32
      %dma_wait3A_71 = arith.constant 0 : i32
      %dma_wait3A_72 = arith.constant 0 : i32
      %dma_wait3A_73 = tpu.memref_slice %arg2[%dma_wait3A_71, %dma_wait3A_72] : memref<100000x64xf32, #tpu.memory_space<hbm>> -> memref<125x64xf32, #tpu.memory_space<hbm>>
      %dma_wait3A_74 = arith.constant 0 : i32
      %dma_wait3A_75 = arith.constant 0 : i32
      %dma_wait3A_76 = tpu.memref_slice %arg2[%dma_wait3A_74, %dma_wait3A_75] : memref<100000x64xf32, #tpu.memory_space<hbm>> -> memref<125x64xf32, #tpu.memory_space<hbm>>
      tpu.wait_dma2 semaphore(%arg12 : memref<!tpu.dma_semaphore, #tpu.memory_space<semaphore_mem>>) src(%dma_wait3A_76 : memref<125x64xf32, #tpu.memory_space<hbm>>) dst(%arg7 : memref<125x64xf32, #tpu.memory_space<vmem>>)
      %add3A_77 = arith.constant 1 : i32
      %add3A_78 = arith.addi %mul3A_70, %add3A_77 : i32
      %mul3A_79 = arith.constant 125 : i32
      %mul3A_80 = arith.muli %add3A_78, %mul3A_79 : i32
      %add3A_81 = arith.addi %mul3A_2, %mul3A_80 : i32
      %dma_start3A_82 = arith.constant 0 : i32
      %dma_start3A_83 = tpu.memref_slice %arg2[%add3A_81, %dma_start3A_82] : memref<100000x64xf32, #tpu.memory_space<hbm>> -> memref<125x64xf32, #tpu.memory_space<hbm>>
      %dma_start3A_84 = arith.constant 0 : i32
      %dma_start3A_85 = tpu.memref_slice %arg2[%add3A_81, %dma_start3A_84] : memref<100000x64xf32, #tpu.memory_space<hbm>> -> memref<125x64xf32, #tpu.memory_space<hbm>>
      tpu.enqueue_dma source(%dma_start3A_85 : memref<125x64xf32, #tpu.memory_space<hbm>>) target(%arg8 : memref<125x64xf32, #tpu.memory_space<vmem>>) target_semaphore(%arg13 : memref<!tpu.dma_semaphore, #tpu.memory_space<semaphore_mem>>)
      "tpu.region"() ({
        %run_scoped3A_151 = tpu.sem_alloc : memref<!tpu.dma_semaphore, #tpu.memory_space<semaphore_mem>>
        %dma_start3A_152 = arith.constant 0 : i32
        %dma_start3A_153 = tpu.memref_slice %arg9[%mul3A_70, %dma_start3A_152] : memref<25x125xi32, #tpu.memory_space<vmem>> -> memref<1x125xi32, #tpu.memory_space<vmem>>
        %dma_start3A_154 = tpu.memref_squeeze %dma_start3A_153 : memref<1x125xi32, #tpu.memory_space<vmem>> -> memref<125xi32, #tpu.memory_space<vmem>>
        %dma_start3A_155 = arith.constant 0 : i32
        %dma_start3A_156 = arith.constant 0 : i32
        %dma_start3A_157 = tpu.memref_slice %arg11[%dma_start3A_155, %dma_start3A_156] : memref<2048x64xf32, #tpu.memory_space<vmem_shared>> -> memref<2048x64xf32, #tpu.memory_space<vmem_shared>>
        tpu.enqueue_indirect_dma source(%arg7 : memref<125x64xf32, #tpu.memory_space<vmem>>) target(%dma_start3A_157 : memref<2048x64xf32, #tpu.memory_space<vmem_shared>>) offsets(%dma_start3A_154 : memref<125xi32, #tpu.memory_space<vmem>>) semaphore(%run_scoped3A_151 : memref<!tpu.dma_semaphore, #tpu.memory_space<semaphore_mem>>) {add = true}
        %dma_wait3A_158 = arith.constant 0 : i32
        %dma_wait3A_159 = tpu.memref_slice %arg9[%mul3A_70, %dma_wait3A_158] : memref<25x125xi32, #tpu.memory_space<vmem>> -> memref<1x125xi32, #tpu.memory_space<vmem>>
        %dma_wait3A_160 = tpu.memref_squeeze %dma_wait3A_159 : memref<1x125xi32, #tpu.memory_space<vmem>> -> memref<125xi32, #tpu.memory_space<vmem>>
        %dma_wait3A_161 = arith.constant 0 : i32
        %dma_wait3A_162 = arith.constant 0 : i32
        %dma_wait3A_163 = tpu.memref_slice %arg11[%dma_wait3A_161, %dma_wait3A_162] : memref<2048x64xf32, #tpu.memory_space<vmem_shared>> -> memref<2048x64xf32, #tpu.memory_space<vmem_shared>>
        tpu.wait_indirect_dma semaphore(%run_scoped3A_151 : memref<!tpu.dma_semaphore, #tpu.memory_space<semaphore_mem>>) src(%arg7 : memref<125x64xf32, #tpu.memory_space<vmem>>) dst(%dma_wait3A_163 : memref<2048x64xf32, #tpu.memory_space<vmem_shared>>)
        tpu.yield
      }) : () -> ()
      %get3A_86 = arith.index_cast %mul3A_70 : i32 to index
      %get3A_87 = arith.constant 0 : index
      %get3A_88 = tpu.vector_load %arg9[%get3A_86, %get3A_87] {strides = array<i32>} : memref<25x125xi32, #tpu.memory_space<vmem>>, vector<16xi32>,
      tpu.vector_store_idx %arg10[%get3A_88], %broadcast_in_dim3A_12 {add = true} : memref<2048xf32, #tpu.memory_space<vmem>>[vector<16xi32>], vector<16xf32>,
      %get3A_89 = arith.index_cast %mul3A_70 : i32 to index
      %get3A_90 = arith.constant 16 : index
      %get3A_91 = tpu.vector_load %arg9[%get3A_89, %get3A_90] {strides = array<i32>} : memref<25x125xi32, #tpu.memory_space<vmem>>, vector<16xi32>,
      tpu.vector_store_idx %arg10[%get3A_91], %broadcast_in_dim3A_12 {add = true} : memref<2048xf32, #tpu.memory_space<vmem>>[vector<16xi32>], vector<16xf32>,
      %get3A_92 = arith.index_cast %mul3A_70 : i32 to index
      %get3A_93 = arith.constant 32 : index
      %get3A_94 = tpu.vector_load %arg9[%get3A_92, %get3A_93] {strides = array<i32>} : memref<25x125xi32, #tpu.memory_space<vmem>>, vector<16xi32>,
      tpu.vector_store_idx %arg10[%get3A_94], %broadcast_in_dim3A_12 {add = true} : memref<2048xf32, #tpu.memory_space<vmem>>[vector<16xi32>], vector<16xf32>,
      %get3A_95 = arith.index_cast %mul3A_70 : i32 to index
      %get3A_96 = arith.constant 48 : index
      %get3A_97 = tpu.vector_load %arg9[%get3A_95, %get3A_96] {strides = array<i32>} : memref<25x125xi32, #tpu.memory_space<vmem>>, vector<16xi32>,
      tpu.vector_store_idx %arg10[%get3A_97], %broadcast_in_dim3A_12 {add = true} : memref<2048xf32, #tpu.memory_space<vmem>>[vector<16xi32>], vector<16xf32>,
      %get3A_98 = arith.index_cast %mul3A_70 : i32 to index
      %get3A_99 = arith.constant 64 : index
      %get3A_100 = tpu.vector_load %arg9[%get3A_98, %get3A_99] {strides = array<i32>} : memref<25x125xi32, #tpu.memory_space<vmem>>, vector<16xi32>,
      tpu.vector_store_idx %arg10[%get3A_100], %broadcast_in_dim3A_12 {add = true} : memref<2048xf32, #tpu.memory_space<vmem>>[vector<16xi32>], vector<16xf32>,
      %get3A_101 = arith.index_cast %mul3A_70 : i32 to index
      %get3A_102 = arith.constant 80 : index
      %get3A_103 = tpu.vector_load %arg9[%get3A_101, %get3A_102] {strides = array<i32>} : memref<25x125xi32, #tpu.memory_space<vmem>>, vector<16xi32>,
      tpu.vector_store_idx %arg10[%get3A_103], %broadcast_in_dim3A_12 {add = true} : memref<2048xf32, #tpu.memory_space<vmem>>[vector<16xi32>], vector<16xf32>,
      %get3A_104 = arith.index_cast %mul3A_70 : i32 to index
      %get3A_105 = arith.constant 96 : index
      %get3A_106 = tpu.vector_load %arg9[%get3A_104, %get3A_105] {strides = array<i32>} : memref<25x125xi32, #tpu.memory_space<vmem>>, vector<16xi32>,
      tpu.vector_store_idx %arg10[%get3A_106], %broadcast_in_dim3A_12 {add = true} : memref<2048xf32, #tpu.memory_space<vmem>>[vector<16xi32>], vector<16xf32>,
      %get3A_107 = arith.index_cast %mul3A_70 : i32 to index
      %get3A_108 = arith.constant 109 : index
      %get3A_109 = tpu.vector_load %arg9[%get3A_107, %get3A_108] {strides = array<i32>} : memref<25x125xi32, #tpu.memory_space<vmem>>, vector<16xi32>,
      tpu.vector_store_idx %arg10[%get3A_109], %broadcast_in_dim3A_12 masked %ge3A_14 {add = true} : memref<2048xf32, #tpu.memory_space<vmem>>[vector<16xi32>], vector<16xf32>, vector<16xi1>
      %dma_wait3A_110 = arith.constant 0 : i32
      %dma_wait3A_111 = arith.constant 0 : i32
      %dma_wait3A_112 = tpu.memref_slice %arg2[%dma_wait3A_110, %dma_wait3A_111] : memref<100000x64xf32, #tpu.memory_space<hbm>> -> memref<125x64xf32, #tpu.memory_space<hbm>>
      %dma_wait3A_113 = arith.constant 0 : i32
      %dma_wait3A_114 = arith.constant 0 : i32
      %dma_wait3A_115 = tpu.memref_slice %arg2[%dma_wait3A_113, %dma_wait3A_114] : memref<100000x64xf32, #tpu.memory_space<hbm>> -> memref<125x64xf32, #tpu.memory_space<hbm>>
      tpu.wait_dma2 semaphore(%arg13 : memref<!tpu.dma_semaphore, #tpu.memory_space<semaphore_mem>>) src(%dma_wait3A_115 : memref<125x64xf32, #tpu.memory_space<hbm>>) dst(%arg8 : memref<125x64xf32, #tpu.memory_space<vmem>>)
      %add3A_116 = arith.constant 2 : i32
      %add3A_117 = arith.addi %mul3A_70, %add3A_116 : i32
      %mul3A_118 = arith.constant 125 : i32
      %mul3A_119 = arith.muli %add3A_117, %mul3A_118 : i32
      %add3A_120 = arith.addi %mul3A_2, %mul3A_119 : i32
      %dma_start3A_121 = arith.constant 0 : i32
      %dma_start3A_122 = tpu.memref_slice %arg2[%add3A_120, %dma_start3A_121] : memref<100000x64xf32, #tpu.memory_space<hbm>> -> memref<125x64xf32, #tpu.memory_space<hbm>>
      %dma_start3A_123 = arith.constant 0 : i32
      %dma_start3A_124 = tpu.memref_slice %arg2[%add3A_120, %dma_start3A_123] : memref<100000x64xf32, #tpu.memory_space<hbm>> -> memref<125x64xf32, #tpu.memory_space<hbm>>
      tpu.enqueue_dma source(%dma_start3A_124 : memref<125x64xf32, #tpu.memory_space<hbm>>) target(%arg7 : memref<125x64xf32, #tpu.memory_space<vmem>>) target_semaphore(%arg12 : memref<!tpu.dma_semaphore, #tpu.memory_space<semaphore_mem>>)
      %add3A_125 = arith.constant 1 : i32
      %add3A_126 = arith.addi %mul3A_70, %add3A_125 : i32
      "tpu.region"() ({
        %run_scoped3A_151 = tpu.sem_alloc : memref<!tpu.dma_semaphore, #tpu.memory_space<semaphore_mem>>
        %dma_start3A_152 = arith.constant 0 : i32
        %dma_start3A_153 = tpu.memref_slice %arg9[%add3A_126, %dma_start3A_152] : memref<25x125xi32, #tpu.memory_space<vmem>> -> memref<1x125xi32, #tpu.memory_space<vmem>>
        %dma_start3A_154 = tpu.memref_squeeze %dma_start3A_153 : memref<1x125xi32, #tpu.memory_space<vmem>> -> memref<125xi32, #tpu.memory_space<vmem>>
        %dma_start3A_155 = arith.constant 0 : i32
        %dma_start3A_156 = arith.constant 0 : i32
        %dma_start3A_157 = tpu.memref_slice %arg11[%dma_start3A_155, %dma_start3A_156] : memref<2048x64xf32, #tpu.memory_space<vmem_shared>> -> memref<2048x64xf32, #tpu.memory_space<vmem_shared>>
        tpu.enqueue_indirect_dma source(%arg8 : memref<125x64xf32, #tpu.memory_space<vmem>>) target(%dma_start3A_157 : memref<2048x64xf32, #tpu.memory_space<vmem_shared>>) offsets(%dma_start3A_154 : memref<125xi32, #tpu.memory_space<vmem>>) semaphore(%run_scoped3A_151 : memref<!tpu.dma_semaphore, #tpu.memory_space<semaphore_mem>>) {add = true}
        %dma_wait3A_158 = arith.constant 0 : i32
        %dma_wait3A_159 = tpu.memref_slice %arg9[%add3A_126, %dma_wait3A_158] : memref<25x125xi32, #tpu.memory_space<vmem>> -> memref<1x125xi32, #tpu.memory_space<vmem>>
        %dma_wait3A_160 = tpu.memref_squeeze %dma_wait3A_159 : memref<1x125xi32, #tpu.memory_space<vmem>> -> memref<125xi32, #tpu.memory_space<vmem>>
        %dma_wait3A_161 = arith.constant 0 : i32
        %dma_wait3A_162 = arith.constant 0 : i32
        %dma_wait3A_163 = tpu.memref_slice %arg11[%dma_wait3A_161, %dma_wait3A_162] : memref<2048x64xf32, #tpu.memory_space<vmem_shared>> -> memref<2048x64xf32, #tpu.memory_space<vmem_shared>>
        tpu.wait_indirect_dma semaphore(%run_scoped3A_151 : memref<!tpu.dma_semaphore, #tpu.memory_space<semaphore_mem>>) src(%arg8 : memref<125x64xf32, #tpu.memory_space<vmem>>) dst(%dma_wait3A_163 : memref<2048x64xf32, #tpu.memory_space<vmem_shared>>)
        tpu.yield
      }) : () -> ()
      %get3A_127 = arith.index_cast %add3A_126 : i32 to index
      %get3A_128 = arith.constant 0 : index
      %get3A_129 = tpu.vector_load %arg9[%get3A_127, %get3A_128] {strides = array<i32>} : memref<25x125xi32, #tpu.memory_space<vmem>>, vector<16xi32>,
      tpu.vector_store_idx %arg10[%get3A_129], %broadcast_in_dim3A_12 {add = true} : memref<2048xf32, #tpu.memory_space<vmem>>[vector<16xi32>], vector<16xf32>,
      %get3A_130 = arith.index_cast %add3A_126 : i32 to index
      %get3A_131 = arith.constant 16 : index
      %get3A_132 = tpu.vector_load %arg9[%get3A_130, %get3A_131] {strides = array<i32>} : memref<25x125xi32, #tpu.memory_space<vmem>>, vector<16xi32>,
      tpu.vector_store_idx %arg10[%get3A_132], %broadcast_in_dim3A_12 {add = true} : memref<2048xf32, #tpu.memory_space<vmem>>[vector<16xi32>], vector<16xf32>,
      %get3A_133 = arith.index_cast %add3A_126 : i32 to index
      %get3A_134 = arith.constant 32 : index
      %get3A_135 = tpu.vector_load %arg9[%get3A_133, %get3A_134] {strides = array<i32>} : memref<25x125xi32, #tpu.memory_space<vmem>>, vector<16xi32>,
      tpu.vector_store_idx %arg10[%get3A_135], %broadcast_in_dim3A_12 {add = true} : memref<2048xf32, #tpu.memory_space<vmem>>[vector<16xi32>], vector<16xf32>,
      %get3A_136 = arith.index_cast %add3A_126 : i32 to index
      %get3A_137 = arith.constant 48 : index
      %get3A_138 = tpu.vector_load %arg9[%get3A_136, %get3A_137] {strides = array<i32>} : memref<25x125xi32, #tpu.memory_space<vmem>>, vector<16xi32>,
      tpu.vector_store_idx %arg10[%get3A_138], %broadcast_in_dim3A_12 {add = true} : memref<2048xf32, #tpu.memory_space<vmem>>[vector<16xi32>], vector<16xf32>,
      %get3A_139 = arith.index_cast %add3A_126 : i32 to index
      %get3A_140 = arith.constant 64 : index
      %get3A_141 = tpu.vector_load %arg9[%get3A_139, %get3A_140] {strides = array<i32>} : memref<25x125xi32, #tpu.memory_space<vmem>>, vector<16xi32>,
      tpu.vector_store_idx %arg10[%get3A_141], %broadcast_in_dim3A_12 {add = true} : memref<2048xf32, #tpu.memory_space<vmem>>[vector<16xi32>], vector<16xf32>,
      %get3A_142 = arith.index_cast %add3A_126 : i32 to index
      %get3A_143 = arith.constant 80 : index
      %get3A_144 = tpu.vector_load %arg9[%get3A_142, %get3A_143] {strides = array<i32>} : memref<25x125xi32, #tpu.memory_space<vmem>>, vector<16xi32>,
      tpu.vector_store_idx %arg10[%get3A_144], %broadcast_in_dim3A_12 {add = true} : memref<2048xf32, #tpu.memory_space<vmem>>[vector<16xi32>], vector<16xf32>,
      %get3A_145 = arith.index_cast %add3A_126 : i32 to index
      %get3A_146 = arith.constant 96 : index
      %get3A_147 = tpu.vector_load %arg9[%get3A_145, %get3A_146] {strides = array<i32>} : memref<25x125xi32, #tpu.memory_space<vmem>>, vector<16xi32>,
      tpu.vector_store_idx %arg10[%get3A_147], %broadcast_in_dim3A_12 {add = true} : memref<2048xf32, #tpu.memory_space<vmem>>[vector<16xi32>], vector<16xf32>,
      %get3A_148 = arith.index_cast %add3A_126 : i32 to index
      %get3A_149 = arith.constant 109 : index
      %get3A_150 = tpu.vector_load %arg9[%get3A_148, %get3A_149] {strides = array<i32>} : memref<25x125xi32, #tpu.memory_space<vmem>>, vector<16xi32>,
      tpu.vector_store_idx %arg10[%get3A_150], %broadcast_in_dim3A_12 masked %ge3A_14 {add = true} : memref<2048xf32, #tpu.memory_space<vmem>>[vector<16xi32>], vector<16xf32>, vector<16xi1>
    }
    %scan3A_25 = arith.constant 12 : i32
    %dma_wait3A = arith.constant 0 : i32
    %dma_wait3A_26 = arith.constant 0 : i32
    %dma_wait3A_27 = tpu.memref_slice %arg2[%dma_wait3A, %dma_wait3A_26] : memref<100000x64xf32, #tpu.memory_space<hbm>> -> memref<125x64xf32, #tpu.memory_space<hbm>>
    %dma_wait3A_28 = arith.constant 0 : i32
    %dma_wait3A_29 = arith.constant 0 : i32
    %dma_wait3A_30 = tpu.memref_slice %arg2[%dma_wait3A_28, %dma_wait3A_29] : memref<100000x64xf32, #tpu.memory_space<hbm>> -> memref<125x64xf32, #tpu.memory_space<hbm>>
    tpu.wait_dma2 semaphore(%arg12 : memref<!tpu.dma_semaphore, #tpu.memory_space<semaphore_mem>>) src(%dma_wait3A_30 : memref<125x64xf32, #tpu.memory_space<hbm>>) dst(%arg7 : memref<125x64xf32, #tpu.memory_space<vmem>>)
    %run_scoped3A = arith.constant 24 : i32
    "tpu.region"() ({
      %run_scoped3A_68 = tpu.sem_alloc : memref<!tpu.dma_semaphore, #tpu.memory_space<semaphore_mem>>
      %dma_start3A_69 = arith.constant 0 : i32
      %dma_start3A_70 = tpu.memref_slice %arg9[%run_scoped3A, %dma_start3A_69] : memref<25x125xi32, #tpu.memory_space<vmem>> -> memref<1x125xi32, #tpu.memory_space<vmem>>
      %dma_start3A_71 = tpu.memref_squeeze %dma_start3A_70 : memref<1x125xi32, #tpu.memory_space<vmem>> -> memref<125xi32, #tpu.memory_space<vmem>>
      %dma_start3A_72 = arith.constant 0 : i32
      %dma_start3A_73 = arith.constant 0 : i32
      %dma_start3A_74 = tpu.memref_slice %arg11[%dma_start3A_72, %dma_start3A_73] : memref<2048x64xf32, #tpu.memory_space<vmem_shared>> -> memref<2048x64xf32, #tpu.memory_space<vmem_shared>>
      tpu.enqueue_indirect_dma source(%arg7 : memref<125x64xf32, #tpu.memory_space<vmem>>) target(%dma_start3A_74 : memref<2048x64xf32, #tpu.memory_space<vmem_shared>>) offsets(%dma_start3A_71 : memref<125xi32, #tpu.memory_space<vmem>>) semaphore(%run_scoped3A_68 : memref<!tpu.dma_semaphore, #tpu.memory_space<semaphore_mem>>) {add = true}
      %dma_wait3A_75 = arith.constant 0 : i32
      %dma_wait3A_76 = tpu.memref_slice %arg9[%run_scoped3A, %dma_wait3A_75] : memref<25x125xi32, #tpu.memory_space<vmem>> -> memref<1x125xi32, #tpu.memory_space<vmem>>
      %dma_wait3A_77 = tpu.memref_squeeze %dma_wait3A_76 : memref<1x125xi32, #tpu.memory_space<vmem>> -> memref<125xi32, #tpu.memory_space<vmem>>
      %dma_wait3A_78 = arith.constant 0 : i32
      %dma_wait3A_79 = arith.constant 0 : i32
      %dma_wait3A_80 = tpu.memref_slice %arg11[%dma_wait3A_78, %dma_wait3A_79] : memref<2048x64xf32, #tpu.memory_space<vmem_shared>> -> memref<2048x64xf32, #tpu.memory_space<vmem_shared>>
      tpu.wait_indirect_dma semaphore(%run_scoped3A_68 : memref<!tpu.dma_semaphore, #tpu.memory_space<semaphore_mem>>) src(%arg7 : memref<125x64xf32, #tpu.memory_space<vmem>>) dst(%dma_wait3A_80 : memref<2048x64xf32, #tpu.memory_space<vmem_shared>>)
      tpu.yield
    }) : () -> ()
    %get3A = arith.constant 24 : i32
    %get3A_31 = arith.index_cast %get3A : i32 to index
    %get3A_32 = arith.constant 0 : index
    %get3A_33 = tpu.vector_load %arg9[%get3A_31, %get3A_32] {strides = array<i32>} : memref<25x125xi32, #tpu.memory_space<vmem>>, vector<16xi32>,
    tpu.vector_store_idx %arg10[%get3A_33], %broadcast_in_dim3A_12 {add = true} : memref<2048xf32, #tpu.memory_space<vmem>>[vector<16xi32>], vector<16xf32>,
    %get3A_34 = arith.constant 24 : i32
    %get3A_35 = arith.index_cast %get3A_34 : i32 to index
    %get3A_36 = arith.constant 16 : index
    %get3A_37 = tpu.vector_load %arg9[%get3A_35, %get3A_36] {strides = array<i32>} : memref<25x125xi32, #tpu.memory_space<vmem>>, vector<16xi32>,
    tpu.vector_store_idx %arg10[%get3A_37], %broadcast_in_dim3A_12 {add = true} : memref<2048xf32, #tpu.memory_space<vmem>>[vector<16xi32>], vector<16xf32>,
    %get3A_38 = arith.constant 24 : i32
    %get3A_39 = arith.index_cast %get3A_38 : i32 to index
    %get3A_40 = arith.constant 32 : index
    %get3A_41 = tpu.vector_load %arg9[%get3A_39, %get3A_40] {strides = array<i32>} : memref<25x125xi32, #tpu.memory_space<vmem>>, vector<16xi32>,
    tpu.vector_store_idx %arg10[%get3A_41], %broadcast_in_dim3A_12 {add = true} : memref<2048xf32, #tpu.memory_space<vmem>>[vector<16xi32>], vector<16xf32>,
    %get3A_42 = arith.constant 24 : i32
    %get3A_43 = arith.index_cast %get3A_42 : i32 to index
    %get3A_44 = arith.constant 48 : index
    %get3A_45 = tpu.vector_load %arg9[%get3A_43, %get3A_44] {strides = array<i32>} : memref<25x125xi32, #tpu.memory_space<vmem>>, vector<16xi32>,
    tpu.vector_store_idx %arg10[%get3A_45], %broadcast_in_dim3A_12 {add = true} : memref<2048xf32, #tpu.memory_space<vmem>>[vector<16xi32>], vector<16xf32>,
    %get3A_46 = arith.constant 24 : i32
    %get3A_47 = arith.index_cast %get3A_46 : i32 to index
    %get3A_48 = arith.constant 64 : index
    %get3A_49 = tpu.vector_load %arg9[%get3A_47, %get3A_48] {strides = array<i32>} : memref<25x125xi32, #tpu.memory_space<vmem>>, vector<16xi32>,
    tpu.vector_store_idx %arg10[%get3A_49], %broadcast_in_dim3A_12 {add = true} : memref<2048xf32, #tpu.memory_space<vmem>>[vector<16xi32>], vector<16xf32>,
    %get3A_50 = arith.constant 24 : i32
    %get3A_51 = arith.index_cast %get3A_50 : i32 to index
    %get3A_52 = arith.constant 80 : index
    %get3A_53 = tpu.vector_load %arg9[%get3A_51, %get3A_52] {strides = array<i32>} : memref<25x125xi32, #tpu.memory_space<vmem>>, vector<16xi32>,
    tpu.vector_store_idx %arg10[%get3A_53], %broadcast_in_dim3A_12 {add = true} : memref<2048xf32, #tpu.memory_space<vmem>>[vector<16xi32>], vector<16xf32>,
    %get3A_54 = arith.constant 24 : i32
    %get3A_55 = arith.index_cast %get3A_54 : i32 to index
    %get3A_56 = arith.constant 96 : index
    %get3A_57 = tpu.vector_load %arg9[%get3A_55, %get3A_56] {strides = array<i32>} : memref<25x125xi32, #tpu.memory_space<vmem>>, vector<16xi32>,
    tpu.vector_store_idx %arg10[%get3A_57], %broadcast_in_dim3A_12 {add = true} : memref<2048xf32, #tpu.memory_space<vmem>>[vector<16xi32>], vector<16xf32>,
    %get3A_58 = arith.constant 24 : i32
    %get3A_59 = arith.index_cast %get3A_58 : i32 to index
    %get3A_60 = arith.constant 109 : index
    %get3A_61 = tpu.vector_load %arg9[%get3A_59, %get3A_60] {strides = array<i32>} : memref<25x125xi32, #tpu.memory_space<vmem>>, vector<16xi32>,
    tpu.vector_store_idx %arg10[%get3A_61], %broadcast_in_dim3A_12 masked %ge3A_14 {add = true} : memref<2048xf32, #tpu.memory_space<vmem>>[vector<16xi32>], vector<16xf32>, vector<16xi1>
    %barrier3A_62 = arith.constant 0 : index
    tpu.barrier barrier_id(%barrier3A_62)
    %eq3A_63 = arith.constant 0 : i32
    %eq3A_64 = arith.cmpi eq, %arg1, %eq3A_63 : i32
    %convert_element_type3A_65 = arith.extui %eq3A_64 : i1 to i32
    %cond3A_66 = arith.constant 0 : i32
    %cond3A_67 = arith.cmpi ne, %convert_element_type3A_65, %cond3A_66 : i32
    scf.if %cond3A_67 {
      "tpu.region"() ({
        %run_scoped3A_68 = tpu.sem_alloc : memref<!tpu.dma_semaphore, #tpu.memory_space<semaphore_mem>>
        %dma_start3A_69 = arith.constant 0 : i32
        %dma_start3A_70 = arith.constant 0 : i32
        %dma_start3A_71 = tpu.memref_slice %arg5[%arg0, %dma_start3A_69, %dma_start3A_70] : memref<2x2048x64xf32, #tpu.memory_space<hbm>> -> memref<1x2048x64xf32, #tpu.memory_space<hbm>>
        %dma_start3A_72 = tpu.memref_squeeze %dma_start3A_71 : memref<1x2048x64xf32, #tpu.memory_space<hbm>> -> memref<2048x64xf32, #tpu.memory_space<hbm>>
        tpu.enqueue_dma source(%arg11 : memref<2048x64xf32, #tpu.memory_space<vmem_shared>>) target(%dma_start3A_72 : memref<2048x64xf32, #tpu.memory_space<hbm>>) target_semaphore(%run_scoped3A_68 : memref<!tpu.dma_semaphore, #tpu.memory_space<semaphore_mem>>)
        %dma_wait3A_73 = arith.constant 0 : i32
        %dma_wait3A_74 = arith.constant 0 : i32
        %dma_wait3A_75 = tpu.memref_slice %arg5[%arg0, %dma_wait3A_73, %dma_wait3A_74] : memref<2x2048x64xf32, #tpu.memory_space<hbm>> -> memref<1x2048x64xf32, #tpu.memory_space<hbm>>
        %dma_wait3A_76 = tpu.memref_squeeze %dma_wait3A_75 : memref<1x2048x64xf32, #tpu.memory_space<hbm>> -> memref<2048x64xf32, #tpu.memory_space<hbm>>
        tpu.wait_dma2 semaphore(%run_scoped3A_68 : memref<!tpu.dma_semaphore, #tpu.memory_space<semaphore_mem>>) src(%arg11 : memref<2048x64xf32, #tpu.memory_space<vmem_shared>>) dst(%dma_wait3A_76 : memref<2048x64xf32, #tpu.memory_space<hbm>>)
        tpu.yield
      }) : () -> ()
    } else {
    }
    "tpu.region"() ({
      %run_scoped3A_68 = tpu.sem_alloc : memref<!tpu.dma_semaphore, #tpu.memory_space<semaphore_mem>>
      %dma_start3A_69 = arith.constant 0 : i32
      %dma_start3A_70 = tpu.memref_slice %arg6[%arg0, %arg1, %dma_start3A_69] : memref<2x16x2048xf32, #tpu.memory_space<hbm>> -> memref<1x1x2048xf32, #tpu.memory_space<hbm>>
      %dma_start3A_71 = tpu.memref_squeeze %dma_start3A_70 : memref<1x1x2048xf32, #tpu.memory_space<hbm>> -> memref<2048xf32, #tpu.memory_space<hbm>>
      %dma_start3A_72 = arith.constant 0 : i32
      %dma_start3A_73 = tpu.memref_slice %arg6[%arg0, %arg1, %dma_start3A_72] : memref<2x16x2048xf32, #tpu.memory_space<hbm>> -> memref<1x1x2048xf32, #tpu.memory_space<hbm>>
      %dma_start3A_74 = tpu.memref_squeeze %dma_start3A_73 : memref<1x1x2048xf32, #tpu.memory_space<hbm>> -> memref<2048xf32, #tpu.memory_space<hbm>>
      tpu.enqueue_dma source(%arg10 : memref<2048xf32, #tpu.memory_space<vmem>>) target(%dma_start3A_74 : memref<2048xf32, #tpu.memory_space<hbm>>) target_semaphore(%run_scoped3A_68 : memref<!tpu.dma_semaphore, #tpu.memory_space<semaphore_mem>>)
      %dma_wait3A_75 = arith.constant 0 : i32
      %dma_wait3A_76 = tpu.memref_slice %arg6[%arg0, %arg1, %dma_wait3A_75] : memref<2x16x2048xf32, #tpu.memory_space<hbm>> -> memref<1x1x2048xf32, #tpu.memory_space<hbm>>
      %dma_wait3A_77 = tpu.memref_squeeze %dma_wait3A_76 : memref<1x1x2048xf32, #tpu.memory_space<hbm>> -> memref<2048xf32, #tpu.memory_space<hbm>>
      %dma_wait3A_78 = arith.constant 0 : i32
      %dma_wait3A_79 = tpu.memref_slice %arg6[%arg0, %arg1, %dma_wait3A_78] : memref<2x16x2048xf32, #tpu.memory_space<hbm>> -> memref<1x1x2048xf32, #tpu.memory_space<hbm>>
      %dma_wait3A_80 = tpu.memref_squeeze %dma_wait3A_79 : memref<1x1x2048xf32, #tpu.memory_space<hbm>> -> memref<2048xf32, #tpu.memory_space<hbm>>
      tpu.wait_dma2 semaphore(%run_scoped3A_68 : memref<!tpu.dma_semaphore, #tpu.memory_space<semaphore_mem>>) src(%arg10 : memref<2048xf32, #tpu.memory_space<vmem>>) dst(%dma_wait3A_80 : memref<2048xf32, #tpu.memory_space<hbm>>)
      tpu.yield
    }) : () -> ()
    return
  }
}

module attributes {stable_mosaic.version = 14 : i64} {
  func.func @_tc_body(%arg0: i32, %arg1: memref<1024x64xf32, #tpu.memory_space<vmem>>, %arg2: memref<2x2048x64xf32, #tpu.memory_space<vmem>>, %arg3: memref<2x16x2048xf32, #tpu.memory_space<vmem>>, %arg4: memref<1024x1xi32, #tpu.memory_space<vmem>>, %arg5: memref<1x1xf32, #tpu.memory_space<smem>>, %arg6: memref<1024x2048xf32, #tpu.memory_space<vmem>>) attributes {dimension_semantics = [#tpu.dimension_semantics<arbitrary>], iteration_bounds = array<i64: 1>, scalar_prefetch = 0 : i64, scratch_operands = 1 : i64, tpu.core_type = #tpu.core_type<tc>, window_params = [{transform_indices = @transform_0, window_bounds = array<i64: 1024, 64>}, {pipeline_mode = #tpu.pipeline_mode<synchronous>, transform_indices = @transform_1, window_bounds = array<i64: 2, 2048, 64>}, {pipeline_mode = #tpu.pipeline_mode<synchronous>, transform_indices = @transform_2, window_bounds = array<i64: 2, 16, 2048>}, {transform_indices = @transform_3, window_bounds = array<i64: 1024, 1>}, {transform_indices = @transform_4, window_bounds = array<i64: 1, 1>}]} {
    %eq3A = arith.constant 0 : i32
    %eq3A_0 = arith.cmpi eq, %arg0, %eq3A : i32
    %convert_element_type3A = arith.extui %eq3A_0 : i1 to i32
    %cond3A = arith.constant 0 : i32
    %cond3A_1 = arith.cmpi ne, %convert_element_type3A, %cond3A : i32
    scf.if %cond3A_1 {
      %swap3A_136 = arith.constant 0.000000e+00 : f32
      %swap3A_137 = arith.constant 0 : index
      %swap3A_138 = arith.constant 0 : index
      %swap3A_139 = memref.load %arg5[%swap3A_137, %swap3A_138] : memref<1x1xf32, #tpu.memory_space<smem>>
      memref.store %swap3A_136, %arg5[%swap3A_137, %swap3A_138] : memref<1x1xf32, #tpu.memory_space<smem>>
    } else {
    }
    %get3A = arith.constant 0 : index
    %get3A_2 = arith.constant 0 : index
    %get3A_3 = vector.load %arg1[%get3A, %get3A_2] : memref<1024x64xf32, #tpu.memory_space<vmem>>, vector<1024x64xf32>
    %mul3A = arith.mulf %get3A_3, %get3A_3 : vector<1024x64xf32>
    %reduce_sum3A = arith.constant dense<0.000000e+00> : vector<1024xf32>
    %reduce_sum3A_4 = vector.multi_reduction <add>, %mul3A, %reduce_sum3A [1] : vector<1024x64xf32> to vector<1024xf32>
    %broadcast_in_dim3A = vector.shape_cast %reduce_sum3A_4 : vector<1024xf32> to vector<1024x1xf32>
    %sqrt3A = math.sqrt %broadcast_in_dim3A : vector<1024x1xf32>
    %max3A = arith.constant 9.99999996E-13 : f32
    %max3A_5 = vector.broadcast %max3A : f32 to vector<1024x1xf32>
    %max3A_6 = arith.maximumf %sqrt3A, %max3A_5 : vector<1024x1xf32>
    %div3A = vector.broadcast %max3A_6 : vector<1024x1xf32> to vector<1024x64xf32>
    %div3A_7 = arith.divf %get3A_3, %div3A : vector<1024x64xf32>
    %get3A_8 = arith.constant 0 : index
    %get3A_9 = arith.constant 0 : index
    %get3A_10 = arith.constant 0 : index
    %get3A_11 = vector.load %arg2[%get3A_8, %get3A_9, %get3A_10] : memref<2x2048x64xf32, #tpu.memory_space<vmem>>, vector<1x2048x64xf32>
    %get3A_12 = vector.shape_cast %get3A_11 : vector<1x2048x64xf32> to vector<2048x64xf32>
    %get3A_13 = arith.constant 1 : index
    %get3A_14 = arith.constant 0 : index
    %get3A_15 = arith.constant 0 : index
    %get3A_16 = vector.load %arg2[%get3A_13, %get3A_14, %get3A_15] : memref<2x2048x64xf32, #tpu.memory_space<vmem>>, vector<1x2048x64xf32>
    %get3A_17 = vector.shape_cast %get3A_16 : vector<1x2048x64xf32> to vector<2048x64xf32>
    %add3A = arith.addf %get3A_12, %get3A_17 : vector<2048x64xf32>
    %get3A_18 = arith.constant 0 : index
    %get3A_19 = arith.constant 0 : index
    %get3A_20 = arith.constant 0 : index
    %get3A_21 = vector.load %arg3[%get3A_18, %get3A_19, %get3A_20] : memref<2x16x2048xf32, #tpu.memory_space<vmem>>, vector<2x16x2048xf32>
    %reduce_sum3A_22 = arith.constant dense<0.000000e+00> : vector<2x2048xf32>
    %reduce_sum3A_23 = vector.multi_reduction <add>, %get3A_21, %reduce_sum3A_22 [1] : vector<2x16x2048xf32> to vector<2x2048xf32>
    %broadcast_in_dim3A_24 = vector.shape_cast %reduce_sum3A_23 : vector<2x2048xf32> to vector<2x1x2048xf32>
    %slice3A = vector.extract_strided_slice %broadcast_in_dim3A_24 {offsets = [0, 0, 0], sizes = [1, 1, 2048], strides = [1, 1, 1]} : vector<2x1x2048xf32> to vector<1x1x2048xf32>
    %squeeze3A = vector.shape_cast %slice3A : vector<1x1x2048xf32> to vector<1x2048xf32>
    %slice3A_25 = vector.extract_strided_slice %broadcast_in_dim3A_24 {offsets = [1, 0, 0], sizes = [1, 1, 2048], strides = [1, 1, 1]} : vector<2x1x2048xf32> to vector<1x1x2048xf32>
    %squeeze3A_26 = vector.shape_cast %slice3A_25 : vector<1x1x2048xf32> to vector<1x2048xf32>
    %add3A_27 = arith.addf %squeeze3A, %squeeze3A_26 : vector<1x2048xf32>
    %dot_general3A = arith.constant dense<0.000000e+00> : vector<1024x2048xf32>
    %dot_general3A_28 = tpu.matmul %div3A_7, %add3A, %dot_general3A {dimension_numbers = #tpu.dot_dimension_numbers<[1], [1], [0], [0], [0, 0, 1, 0], [], []>, transpose_lhs_hint = false} : vector<1024x64xf32>, vector<2048x64xf32>, vector<1024x2048xf32> -> vector<1024x2048xf32>
    %max3A_29 = arith.constant 1.000000e+00 : f32
    %max3A_30 = vector.broadcast %max3A_29 : f32 to vector<1x2048xf32>
    %max3A_31 = arith.maximumf %add3A_27, %max3A_30 : vector<1x2048xf32>
    %mul3A_32 = arith.constant 5.000000e-02 : f32
    %mul3A_33 = vector.broadcast %mul3A_32 : f32 to vector<1x2048xf32>
    %mul3A_34 = arith.mulf %mul3A_33, %max3A_31 : vector<1x2048xf32>
    %div3A_35 = vector.broadcast %mul3A_34 : vector<1x2048xf32> to vector<1024x2048xf32>
    %div3A_36 = arith.divf %dot_general3A_28, %div3A_35 : vector<1024x2048xf32>
    %iota3A = tpu.iota {dimensions = array<i32: 1>} : vector<1x2048xi32>
    %gt3A = arith.constant 0.000000e+00 : f32
    %gt3A_37 = vector.broadcast %gt3A : f32 to vector<1x2048xf32>
    %gt3A_38 = arith.cmpf ogt, %add3A_27, %gt3A_37 : vector<1x2048xf32>
    %lt3A = arith.constant 2000 : i32
    %lt3A_39 = vector.broadcast %lt3A : i32 to vector<1x2048xi32>
    %lt3A_40 = arith.cmpi slt, %iota3A, %lt3A_39 : vector<1x2048xi32>
    %and3A = arith.andi %gt3A_38, %lt3A_40 : vector<1x2048xi1>
    %exp3A = math.exp %div3A_36 : vector<1024x2048xf32>
    %jit3A = arith.constant 0.000000e+00 : f32
    %broadcast_in_dim3A_41 = vector.shape_cast %and3A : vector<1x2048xi1> to vector<1x2048xi1>
    %broadcast_in_dim3A_42 = vector.broadcast %broadcast_in_dim3A_41 : vector<1x2048xi1> to vector<1024x2048xi1>
    %broadcast_in_dim3A_43 = vector.broadcast %jit3A : f32 to vector<1024x2048xf32>
    %select_n3A = arith.select %broadcast_in_dim3A_42, %exp3A, %broadcast_in_dim3A_43 : vector<1024x2048xi1>, vector<1024x2048xf32>
    %iota3A_44 = tpu.iota {dimensions = array<i32: 1>} : vector<1024x2048xi32>
    %get3A_45 = arith.constant 0 : index
    %get3A_46 = arith.constant 0 : index
    %get3A_47 = vector.load %arg4[%get3A_45, %get3A_46] : memref<1024x1xi32, #tpu.memory_space<vmem>>, vector<1024x1xi32>
    %eq3A_48 = vector.broadcast %get3A_47 : vector<1024x1xi32> to vector<1024x2048xi32>
    %eq3A_49 = arith.cmpi eq, %iota3A_44, %eq3A_48 : vector<1024x2048xi32>
    %jit3A_50 = arith.constant 0.000000e+00 : f32
    %broadcast_in_dim3A_51 = vector.broadcast %jit3A_50 : f32 to vector<1024x2048xf32>
    %select_n3A_52 = arith.select %eq3A_49, %select_n3A, %broadcast_in_dim3A_51 : vector<1024x2048xi1>, vector<1024x2048xf32>
    %reduce_sum3A_53 = arith.constant dense<0.000000e+00> : vector<1024xf32>
    %reduce_sum3A_54 = vector.multi_reduction <add>, %select_n3A_52, %reduce_sum3A_53 [1] : vector<1024x2048xf32> to vector<1024xf32>
    %broadcast_in_dim3A_55 = vector.shape_cast %reduce_sum3A_54 : vector<1024xf32> to vector<1024x1xf32>
    %jit3A_56 = arith.constant 0.000000e+00 : f32
    %broadcast_in_dim3A_57 = vector.broadcast %jit3A_56 : f32 to vector<1024x2048xf32>
    %select_n3A_58 = arith.select %eq3A_49, %broadcast_in_dim3A_57, %select_n3A : vector<1024x2048xi1>, vector<1024x2048xf32>
    %swap3A = arith.constant 0 : index
    %swap3A_59 = arith.constant 0 : index
    %swap3A_60 = vector.load %arg6[%swap3A, %swap3A_59] : memref<1024x2048xf32, #tpu.memory_space<vmem>>, vector<1024x2048xf32>
    tpu.vector_store %arg6[%swap3A, %swap3A_59], %select_n3A_58 {strides = array<i32>} : memref<1024x2048xf32, #tpu.memory_space<vmem>>, vector<1024x2048xf32>,
    %reduce_sum3A_61 = arith.constant dense<0.000000e+00> : vector<1024xf32>
    %reduce_sum3A_62 = vector.multi_reduction <add>, %select_n3A_58, %reduce_sum3A_61 [1] : vector<1024x2048xf32> to vector<1024xf32>
    %broadcast_in_dim3A_63 = vector.shape_cast %reduce_sum3A_62 : vector<1024xf32> to vector<1024x1xf32>
    %mul3A_64 = arith.constant 1.000000e-01 : f32
    %mul3A_65 = vector.broadcast %mul3A_64 : f32 to vector<1024x1xf32>
    %mul3A_66 = arith.mulf %mul3A_65, %broadcast_in_dim3A_63 : vector<1024x1xf32>
    %reduce_max3A = arith.constant dense<0xFF800000> : vector<1024xf32>
    %reduce_max3A_67 = vector.multi_reduction <maximumf>, %select_n3A_58, %reduce_max3A [1] : vector<1024x2048xf32> to vector<1024xf32>
    %broadcast_in_dim3A_68 = vector.shape_cast %reduce_max3A_67 : vector<1024xf32> to vector<1024x1xf32>
    %bitcast_convert_type3A = tpu.bitcast %broadcast_in_dim3A_68 : vector<1024x1xf32> -> vector<1024x1xi32>
    %add3A_69 = arith.constant 1 : i32
    %add3A_70 = vector.broadcast %add3A_69 : i32 to vector<1024x1xi32>
    %add3A_71 = arith.addi %bitcast_convert_type3A, %add3A_70 : vector<1024x1xi32>
    %broadcast_in_dim3A_72 = arith.constant 822251815 : i32
    %broadcast_in_dim3A_73 = vector.broadcast %broadcast_in_dim3A_72 : i32 to vector<1024x1xi32>
    %scan3A = arith.constant 0 : i32
    %scan3A_74 = arith.constant 29 : i32
    %scan3A_75 = arith.addi %scan3A, %scan3A_74 : i32
    %scan3A_76 = arith.constant 1 : i32
    %scan3A_77:2 = scf.for %scan3A_136 = %scan3A to %scan3A_75 step %scan3A_76 iter_args(%scan3A_137 = %broadcast_in_dim3A_73, %scan3A_138 = %add3A_71) -> (vector<1024x1xi32>, vector<1024x1xi32>)  : i32 {
      %sub3A_139 = arith.subi %scan3A_138, %scan3A_137 : vector<1024x1xi32>
      %jit3A_140 = arith.constant 2 : i32
      %div3A_141 = vector.broadcast %jit3A_140 : i32 to vector<1024x1xi32>
      %div3A_142 = arith.divsi %sub3A_139, %div3A_141 : vector<1024x1xi32>
      %sign3A = arith.constant 0 : i32
      %sign3A_143 = vector.broadcast %sign3A : i32 to vector<1024x1xi32>
      %sign3A_144 = arith.cmpi sgt, %sub3A_139, %sign3A_143 : vector<1024x1xi32>
      %sign3A_145 = arith.extui %sign3A_144 : vector<1024x1xi1> to vector<1024x1xi32>
      %sign3A_146 = arith.constant 0 : i32
      %sign3A_147 = vector.broadcast %sign3A_146 : i32 to vector<1024x1xi32>
      %sign3A_148 = arith.cmpi slt, %sub3A_139, %sign3A_147 : vector<1024x1xi32>
      %sign3A_149 = arith.extui %sign3A_148 : vector<1024x1xi1> to vector<1024x1xi32>
      %sign3A_150 = arith.subi %sign3A_145, %sign3A_149 : vector<1024x1xi32>
      %sign3A_151 = arith.constant 0 : i32
      %sign3A_152 = arith.cmpi sgt, %jit3A_140, %sign3A_151 : i32
      %sign3A_153 = arith.extui %sign3A_152 : i1 to i32
      %sign3A_154 = arith.constant 0 : i32
      %sign3A_155 = arith.cmpi slt, %jit3A_140, %sign3A_154 : i32
      %sign3A_156 = arith.extui %sign3A_155 : i1 to i32
      %sign3A_157 = arith.subi %sign3A_153, %sign3A_156 : i32
      %ne3A = vector.broadcast %sign3A_157 : i32 to vector<1024x1xi32>
      %ne3A_158 = arith.cmpi ne, %sign3A_150, %ne3A : vector<1024x1xi32>
      %rem3A = vector.broadcast %jit3A_140 : i32 to vector<1024x1xi32>
      %rem3A_159 = arith.remsi %sub3A_139, %rem3A : vector<1024x1xi32>
      %ne3A_160 = arith.constant 0 : i32
      %ne3A_161 = vector.broadcast %ne3A_160 : i32 to vector<1024x1xi32>
      %ne3A_162 = arith.cmpi ne, %rem3A_159, %ne3A_161 : vector<1024x1xi32>
      %and3A_163 = arith.andi %ne3A_158, %ne3A_162 : vector<1024x1xi1>
      %sub3A_164 = arith.constant 1 : i32
      %sub3A_165 = vector.broadcast %sub3A_164 : i32 to vector<1024x1xi32>
      %sub3A_166 = arith.subi %div3A_142, %sub3A_165 : vector<1024x1xi32>
      %select_n3A_167 = arith.select %and3A_163, %sub3A_166, %div3A_142 : vector<1024x1xi1>, vector<1024x1xi32>
      %add3A_168 = arith.addi %scan3A_137, %select_n3A_167 : vector<1024x1xi32>
      %get3A_169 = arith.constant 0 : index
      %get3A_170 = arith.constant 0 : index
      %get3A_171 = vector.load %arg6[%get3A_169, %get3A_170] : memref<1024x2048xf32, #tpu.memory_space<vmem>>, vector<1024x2048xf32>
      %bitcast_convert_type3A_172 = tpu.bitcast %get3A_171 : vector<1024x2048xf32> -> vector<1024x2048xi32>
      %ge3A_173 = vector.broadcast %add3A_168 : vector<1024x1xi32> to vector<1024x2048xi32>
      %ge3A_174 = arith.cmpi sge, %bitcast_convert_type3A_172, %ge3A_173 : vector<1024x2048xi32>
      %jit3A_175 = arith.constant 0.000000e+00 : f32
      %broadcast_in_dim3A_176 = vector.broadcast %jit3A_175 : f32 to vector<1024x2048xf32>
      %select_n3A_177 = arith.select %ge3A_174, %get3A_171, %broadcast_in_dim3A_176 : vector<1024x2048xi1>, vector<1024x2048xf32>
      %reduce_sum3A_178 = arith.constant dense<0.000000e+00> : vector<1024xf32>
      %reduce_sum3A_179 = vector.multi_reduction <add>, %select_n3A_177, %reduce_sum3A_178 [1] : vector<1024x2048xf32> to vector<1024xf32>
      %broadcast_in_dim3A_180 = vector.shape_cast %reduce_sum3A_179 : vector<1024xf32> to vector<1024x1xf32>
      %gt3A_181 = arith.cmpf ogt, %broadcast_in_dim3A_180, %mul3A_66 : vector<1024x1xf32>
      %select_n3A_182 = arith.select %gt3A_181, %add3A_168, %scan3A_137 : vector<1024x1xi1>, vector<1024x1xi32>
      %select_n3A_183 = arith.select %gt3A_181, %scan3A_138, %add3A_168 : vector<1024x1xi1>, vector<1024x1xi32>
      scf.yield %select_n3A_182, %select_n3A_183 : vector<1024x1xi32>, vector<1024x1xi32>
    }
    %get3A_78 = arith.constant 0 : index
    %get3A_79 = arith.constant 0 : index
    %get3A_80 = vector.load %arg6[%get3A_78, %get3A_79] : memref<1024x2048xf32, #tpu.memory_space<vmem>>, vector<1024x2048xf32>
    %bitcast_convert_type3A_81 = tpu.bitcast %get3A_80 : vector<1024x2048xf32> -> vector<1024x2048xi32>
    %ge3A = vector.broadcast %scan3A_77#1 : vector<1024x1xi32> to vector<1024x2048xi32>
    %ge3A_82 = arith.cmpi sge, %bitcast_convert_type3A_81, %ge3A : vector<1024x2048xi32>
    %jit3A_83 = arith.constant 0.000000e+00 : f32
    %broadcast_in_dim3A_84 = vector.broadcast %jit3A_83 : f32 to vector<1024x2048xf32>
    %select_n3A_85 = arith.select %ge3A_82, %get3A_80, %broadcast_in_dim3A_84 : vector<1024x2048xi1>, vector<1024x2048xf32>
    %reduce_sum3A_86 = arith.constant dense<0.000000e+00> : vector<1024xf32>
    %reduce_sum3A_87 = vector.multi_reduction <add>, %select_n3A_85, %reduce_sum3A_86 [1] : vector<1024x2048xf32> to vector<1024xf32>
    %broadcast_in_dim3A_88 = vector.shape_cast %reduce_sum3A_87 : vector<1024xf32> to vector<1024x1xf32>
    %jit3A_89 = arith.constant 1.000000e+00 : f32
    %jit3A_90 = arith.constant 0.000000e+00 : f32
    %broadcast_in_dim3A_91 = vector.broadcast %jit3A_89 : f32 to vector<1024x2048xf32>
    %broadcast_in_dim3A_92 = vector.broadcast %jit3A_90 : f32 to vector<1024x2048xf32>
    %select_n3A_93 = arith.select %ge3A_82, %broadcast_in_dim3A_91, %broadcast_in_dim3A_92 : vector<1024x2048xi1>, vector<1024x2048xf32>
    %reduce_sum3A_94 = arith.constant dense<0.000000e+00> : vector<1024xf32>
    %reduce_sum3A_95 = vector.multi_reduction <add>, %select_n3A_93, %reduce_sum3A_94 [1] : vector<1024x2048xf32> to vector<1024xf32>
    %broadcast_in_dim3A_96 = vector.shape_cast %reduce_sum3A_95 : vector<1024xf32> to vector<1024x1xf32>
    %jit3A_97 = arith.constant 0.000000e+00 : f32
    %broadcast_in_dim3A_98 = vector.broadcast %jit3A_97 : f32 to vector<1024x2048xf32>
    %select_n3A_99 = arith.select %ge3A_82, %broadcast_in_dim3A_98, %get3A_80 : vector<1024x2048xi1>, vector<1024x2048xf32>
    %reduce_max3A_100 = arith.constant dense<0xFF800000> : vector<1024xf32>
    %reduce_max3A_101 = vector.multi_reduction <maximumf>, %select_n3A_99, %reduce_max3A_100 [1] : vector<1024x2048xf32> to vector<1024xf32>
    %broadcast_in_dim3A_102 = vector.shape_cast %reduce_max3A_101 : vector<1024xf32> to vector<1024x1xf32>
    %add3A_103 = arith.addf %broadcast_in_dim3A_88, %broadcast_in_dim3A_102 : vector<1024x1xf32>
    %ge3A_104 = arith.constant 1.000000e+00 : f32
    %ge3A_105 = vector.broadcast %ge3A_104 : f32 to vector<1024x1xf32>
    %ge3A_106 = arith.cmpf oge, %broadcast_in_dim3A_96, %ge3A_105 : vector<1024x1xf32>
    %sub3A = arith.subf %broadcast_in_dim3A_88, %mul3A_66 : vector<1024x1xf32>
    %abs3A = math.absf %sub3A : vector<1024x1xf32>
    %sub3A_107 = arith.subf %add3A_103, %mul3A_66 : vector<1024x1xf32>
    %abs3A_108 = math.absf %sub3A_107 : vector<1024x1xf32>
    %le3A = arith.cmpf ole, %abs3A, %abs3A_108 : vector<1024x1xf32>
    %and3A_109 = arith.andi %ge3A_106, %le3A : vector<1024x1xi1>
    %select_n3A_110 = arith.select %and3A_109, %broadcast_in_dim3A_88, %add3A_103 : vector<1024x1xi1>, vector<1024x1xf32>
    %add3A_111 = arith.addf %broadcast_in_dim3A_55, %select_n3A_110 : vector<1024x1xf32>
    %add3A_112 = arith.constant 9.99999997E-7 : f32
    %add3A_113 = vector.broadcast %add3A_112 : f32 to vector<1024x1xf32>
    %add3A_114 = arith.addf %add3A_111, %add3A_113 : vector<1024x1xf32>
    %div3A_115 = arith.divf %broadcast_in_dim3A_55, %add3A_114 : vector<1024x1xf32>
    %add3A_116 = arith.constant 9.99999997E-7 : f32
    %add3A_117 = vector.broadcast %add3A_116 : f32 to vector<1024x1xf32>
    %add3A_118 = arith.addf %div3A_115, %add3A_117 : vector<1024x1xf32>
    %log3A = math.log %add3A_118 : vector<1024x1xf32>
    %get3A_119 = arith.constant 0 : index
    %get3A_120 = arith.constant 0 : index
    %get3A_121 = memref.load %arg5[%get3A_119, %get3A_120] : memref<1x1xf32, #tpu.memory_space<smem>>
    %reduce_sum3A_122 = vector.shape_cast %log3A : vector<1024x1xf32> to vector<1x1024x1xf32>
    %reduce_sum3A_123 = arith.constant dense<0.000000e+00> : vector<1xf32>
    %reduce_sum3A_124 = vector.multi_reduction <add>, %reduce_sum3A_122, %reduce_sum3A_123 [1, 2] : vector<1x1024x1xf32> to vector<1xf32>
    %reduce_sum3A_125 = vector.shape_cast %reduce_sum3A_124 : vector<1xf32> to vector<1x1x1xf32>
    %reduce_sum3A_126 = vector.extract %reduce_sum3A_125[0, 0, 0] : f32 from vector<1x1x1xf32>
    %add3A_127 = arith.addf %get3A_121, %reduce_sum3A_126 : f32
    %swap3A_128 = arith.constant 0 : index
    %swap3A_129 = arith.constant 0 : index
    %swap3A_130 = memref.load %arg5[%swap3A_128, %swap3A_129] : memref<1x1xf32, #tpu.memory_space<smem>>
    memref.store %add3A_127, %arg5[%swap3A_128, %swap3A_129] : memref<1x1xf32, #tpu.memory_space<smem>>
    %eq3A_131 = arith.constant 0 : i32
    %eq3A_132 = arith.cmpi eq, %arg0, %eq3A_131 : i32
    %convert_element_type3A_133 = arith.extui %eq3A_132 : i1 to i32
    %cond3A_134 = arith.constant 0 : i32
    %cond3A_135 = arith.cmpi ne, %convert_element_type3A_133, %cond3A_134 : i32
    scf.if %cond3A_135 {
      %get3A_136 = arith.constant 0 : index
      %get3A_137 = arith.constant 0 : index
      %get3A_138 = memref.load %arg5[%get3A_136, %get3A_137] : memref<1x1xf32, #tpu.memory_space<smem>>
      %neg3A = arith.constant 0.000000e+00 : f32
      %neg3A_139 = arith.subf %neg3A, %get3A_138 : f32
      %div3A_140 = arith.constant 1.024000e+03 : f32
      %div3A_141 = arith.divf %neg3A_139, %div3A_140 : f32
      %swap3A_142 = arith.constant 0 : index
      %swap3A_143 = arith.constant 0 : index
      %swap3A_144 = memref.load %arg5[%swap3A_142, %swap3A_143] : memref<1x1xf32, #tpu.memory_space<smem>>
      memref.store %div3A_141, %arg5[%swap3A_142, %swap3A_143] : memref<1x1xf32, #tpu.memory_space<smem>>
    } else {
    }
    return
  }
  func.func @transform_0(%arg0: i32) -> (i32, i32) {
    %c0_i32 = arith.constant 0 : i32
    %c0_i32_0 = arith.constant 0 : i32
    return %arg0, %c0_i32 : i32, i32
  }
  func.func @transform_1(%arg0: i32) -> (i32, i32, i32) {
    %c0_i32 = arith.constant 0 : i32
    %c0_i32_0 = arith.constant 0 : i32
    %c0_i32_1 = arith.constant 0 : i32
    %c0_i32_2 = arith.constant 0 : i32
    return %c0_i32, %c0_i32_0, %c0_i32_1 : i32, i32, i32
  }
  func.func @transform_2(%arg0: i32) -> (i32, i32, i32) {
    %c0_i32 = arith.constant 0 : i32
    %c0_i32_0 = arith.constant 0 : i32
    %c0_i32_1 = arith.constant 0 : i32
    %c0_i32_2 = arith.constant 0 : i32
    return %c0_i32, %c0_i32_0, %c0_i32_1 : i32, i32, i32
  }
  func.func @transform_3(%arg0: i32) -> (i32, i32) {
    %c0_i32 = arith.constant 0 : i32
    %c0_i32_0 = arith.constant 0 : i32
    return %arg0, %c0_i32 : i32, i32
  }
  func.func @transform_4(%arg0: i32) -> (i32, i32) {
    %c0_i32 = arith.constant 0 : i32
    %c0_i32_0 = arith.constant 0 : i32
    %c0_i32_1 = arith.constant 0 : i32
    return %c0_i32, %c0_i32_0 : i32, i32
  }
}

</mosaic_0001>

<sc_bundles>
// kernel: kernel.5.cloned.1.call-start
scs
__scs_entry_jumppad:
0x0: {  	(pc) =	sbr.rel $0x88, $3  }
0x1: {  	(tag) =	ssettag $0x0;
	lr =	simm.s32 $0x1  }
0x2: {  	[smem:$0x3F9D] =	sst lr;
	_ =	strace $0xD0000000  }
0x3: {  	_ = 	snop  }
0x4: {  	_ = 	snop  }
0x5: {  	_ = 	snop  }
0x6: {  	_ = 	snop  }
0x7: {  	_ = 	snop  }
__scs_overlays_trampoline_lowered:
0x8: {  	[smem:$0x3FAC] =	sst s0  }
0x9: {  	[smem:$0x3FAD] =	sst s1  }
0xa: {  	[smem:$0x3FAE] =	sst s2  }
0xb: {  	[smem:$0x3FAF] =	sst s3  }
0xc: {  	[smem:$0x3FB0] =	sst s4  }
0xd: {  	[smem:$0x3FB1] =	sst s5  }
0xe: {  	[smem:$0x3FB2] =	sst s6  }
0xf: {  	[smem:$0x3FB3] =	sst s7  }
0x10: {  	[smem:$0x3FB4] =	sst s8  }
0x11: {  	[smem:$0x3FB5] =	sst s9;
	s0 =	simm.s32 @!p0 $0x0  }
0x12: {  	s1 =	sld [smem:$0x3F9B];
	s0 =	simm.s32 @p0 $0x1  }
0x13: {  	[smem:$0x3FB6] =	sst s0;
	s0 =	simm.s32 @!p1 $0x0  }
0x14: {  	s2 =	sld [smem:$0x3F9A];
	s0 =	simm.s32 @p1 $0x1  }
0x15: {  	[smem:$0x3FB7] =	sst s0;
	s0 =	simm.s32 @!p2 $0x0  }
0x16: {  	s3 =	sld [smem:$0x3FDB];
	s0 =	simm.s32 @p2 $0x1  }
0x17: {  	s4 =	simm.s32 $0x1BF5;
	[smem:$0x3FB9] =	sst s0  }
0x18: {  	s0 =	sld [smem:$0x3F9C];
	_ =	swait.ge [sflag:s4], $0x0  }
0x19: {  	s7 =	sld [smem:$0x3F9D]  }
0x1a: {  	s8 =	sadd.s32 $0xFFFFE003, lr  }
0x1b: {  	s9 =	sadd.s32 $0xFFFFFEF7, lr;
	s5 =	simm.s32 $0xFFFFFFFF;
	p2 =	slt.u32 s8, $0xFFFFF086  }
0x1c: {  	p1 =	slt.u32 s9, $0xF7A;
	s5 =	simm.s32 @!p2 $0x0  }
0x1d: {  	s5 =	simm.s32 @p1 $0x1;
	p0 =	seq.s32 s7, s2  }
0x1e: {  	s7 =	smul.u32 @!p0 $0xF7A, s2;
	p2 =	seq.s32 @!p0 s5, $0x0  }
0x1f: {  	s9 =	smul.u32 $0xF7A, s1;
	s8 =	simm.s32 @!p0 $0x1BF5;
	p2 =	por !p2, p0  }
0x20: {  	[sflag:s8] =	ssyncset.s32 @!p0 $0xFFFFF086;
	s6 =	sadd.s32 @!p0 s3, s7;
	s7 =	simm.s32 @!p0 $0x108  }
0x21: {  	s3 =	sadd.s32 s3, s9;
	s6 =	sadd.s32 @!p0 $0x88, s6;
	s7 =	simm.s32 @p2 $0x1082  }
0x22: {  	[simem:s7], [sflag:s8] =	dma.local @!p0 [hbm:s6], $0xF7A  }
0x23: {  	s9 =	sor.u32 $0xD0000000, s2;
	s6 =	simm.s32 $0x108;
	_ =	swait.ge @!p0 [sflag:s8], $0x0  }
0x24: {  	s3 =	sadd.s32 $0x88, s3;
	s6 =	simm.s32 @!p1 $0x1082;
	[sflag:s4] =	ssyncset.s32 $0xFFFFF086  }
0x25: {  	[simem:s6], [sflag:s4] =	dma.local [hbm:s3], $0xF7A  }
0x26: {  	[smem:$0x3F9D] =	sst s1;
	(tag) =	ssettag s2;
	_ =	strace s9  }
0x27: {  	s1 =	sld [smem:$0x3FAD]  }
0x28: {  	s2 =	sld [smem:$0x3FAE]  }
0x29: {  	s4 =	sld [smem:$0x3FB0]  }
0x2a: {  	p0 =	seq.s32 s5, $0x0;
	s5 =	sld [smem:$0x3FB1]  }
0x2b: {  	s6 =	sld [smem:$0x3FB2]  }
0x2c: {  	s7 =	sld [smem:$0x3FB3]  }
0x2d: {  	s3 =	simm.s32 $0x108;
	s8 =	sld [smem:$0x3FB4]  }
0x2e: {  	s3 =	simm.s32 @!p0 $0x1082;
	s9 =	sld [smem:$0x3FB5]  }
0x2f: {  	lr =	sadd.s32 s0, s3;
	s0 =	sld [smem:$0x3FAC]  }
0x30: {  	s3 =	sld [smem:$0x3FAF]  }
0x31: {  	[smem:$0x3FB8] =	sst s10  }
0x32: {  	s10 =	sld [smem:$0x3FB6];
	_ =	sdelay $0x3  }
0x33: {  	p0 =	seq.s32 s10, $0x1;
	s10 =	sld [smem:$0x3FB8];
	_ =	sdelay $0x3  }
0x34: {  	[smem:$0x3FB8] =	sst s10  }
0x35: {  	s10 =	sld [smem:$0x3FB7];
	_ =	sdelay $0x3  }
0x36: {  	p1 =	seq.s32 s10, $0x1;
	s10 =	sld [smem:$0x3FB8];
	_ =	sdelay $0x3  }
0x37: {  	[smem:$0x3FB8] =	sst s10  }
0x38: {  	s10 =	sld [smem:$0x3FB9]  }
0x39: {  	_ = 	snop;
	(pc) =	sbr.ind lr, $3  }
0x3a: {  	_ = 	snop  }
0x3b: {  	_ = 	snop  }
0x3c: {  	p2 =	seq.s32 s10, $0x1;
	s10 =	sld [smem:$0x3FB8]  }
0x3d: {  	_ =	shalt  }
0x3e: {  	_ =	shalt  }
0x3f: {  	_ =	shalt  }
0x40: {  	_ =	shalt  }
0x41: {  	_ =	shalt  }
0x42: {  	_ =	shalt  }
0x43: {  	_ =	shalt  }
0x44: {  	_ =	shalt  }
0x45: {  	_ =	shalt  }
0x46: {  	_ =	shalt  }
0x47: {  	_ =	shalt  }
0x48: {  	_ =	shalt  }
0x49: {  	_ =	shalt  }
0x4a: {  	_ =	shalt  }
0x4b: {  	_ =	shalt  }
0x4c: {  	_ =	shalt  }
0x4d: {  	_ =	shalt  }
0x4e: {  	_ =	shalt  }
0x4f: {  	_ =	shalt  }
0x50: {  	_ =	shalt  }
0x51: {  	_ =	shalt  }
0x52: {  	_ =	shalt  }
0x53: {  	_ =	shalt  }
0x54: {  	_ =	shalt  }
0x55: {  	_ =	shalt  }
0x56: {  	_ =	shalt  }
0x57: {  	_ =	shalt  }
0x58: {  	_ =	shalt  }
0x59: {  	_ =	shalt  }
0x5a: {  	_ =	shalt  }
0x5b: {  	_ =	shalt  }
0x5c: {  	_ =	shalt  }
0x5d: {  	_ =	shalt  }
0x5e: {  	_ =	shalt  }
0x5f: {  	_ =	shalt  }
0x60: {  	_ =	shalt  }
0x61: {  	_ =	shalt  }
0x62: {  	_ =	shalt  }
0x63: {  	_ =	shalt  }
0x64: {  	_ =	shalt  }
0x65: {  	_ =	shalt  }
0x66: {  	_ =	shalt  }
0x67: {  	_ =	shalt  }
0x68: {  	_ =	shalt  }
0x69: {  	_ =	shalt  }
0x6a: {  	_ =	shalt  }
0x6b: {  	_ =	shalt  }
0x6c: {  	_ =	shalt  }
0x6d: {  	_ =	shalt  }
0x6e: {  	_ =	shalt  }
0x6f: {  	_ =	shalt  }
0x70: {  	_ =	shalt  }
0x71: {  	_ =	shalt  }
0x72: {  	_ =	shalt  }
0x73: {  	_ =	shalt  }
0x74: {  	_ =	shalt  }
0x75: {  	_ =	shalt  }
0x76: {  	_ =	shalt  }
0x77: {  	_ =	shalt  }
0x78: {  	_ =	shalt  }
0x79: {  	_ =	shalt  }
0x7a: {  	_ =	shalt  }
0x7b: {  	_ =	shalt  }
0x7c: {  	_ =	shalt  }
0x7d: {  	_ =	shalt  }
0x7e: {  	_ =	shalt  }
0x7f: {  	_ =	shalt  }
0x80: {  	_ =	shalt  }
0x81: {  	_ =	shalt  }
0x82: {  	_ =	shalt  }
0x83: {  	_ =	shalt  }
0x84: {  	_ =	shalt  }
0x85: {  	_ =	shalt  }
0x86: {  	_ =	shalt  }
0x87: {  	_ =	shalt  }
.Lfunc_end0:
.L_simem_size_0:
called_computation_lowered:
.L_overlay_start_0:
0x88: {  	s2 =	sld [smem:$0x3FD9]  }
0x89: {  	s3 =	sld [smem:$0x3FFE];
	_ =	sdelay $0x1  }
0x8a: {  	s1 =	srdreg.scid  }
0x8b: {  	s0 =	sand.u32 $0x1, s1  }
0x8c: {  	s16 =	sshll.u32 s0, $0xA;
	s2 =	sadd.s32 s3, s2  }
0x8d: {  	s2 =	sadd.s32 s2, s16  }
0x8e: {  	[smem:$0x3FC4] =	sst s2  }
0x8f: {  	_ = 	snop  }
0x90: {  	(tm) =	ssettm $0x1  }
0x91: {  	s17 =	sld [smem:$0x3FFB];
	_ =	sdelay $0x3  }
0x92: {  	_ =	strace s17  }
0x93: {  	s2 =	sld [smem:$0x3FFC];
	_ =	sdelay $0x3  }
0x94: {  	_ =	strace s2  }
0x95: {  	s2 =	sld [smem:$0x3FFD];
	_ =	sdelay $0x3  }
0x96: {  	_ =	strace s2  }
0x97: {  	_ =	strace $0x8FFFFFFF  }
0x98: {  	s18 =	sld [smem:$0x3FDB];
	_ =	sdelay $0x1  }
0x99: {  	s19 =	simm.s32 $_scs_section_size  }
0x9a: {  	s4 =	simm.s32 $_size__tile_overlayer_lowered;
	s5 =	simm.s32 $_tile_overlayer_lowered  }
0x9b: {  	s22 =	simm.s32 $0x1BFF;
	s21 =	sshll.u32 s5, $0x1;
	s2 =	sadd.s32 s19, s18  }
0x9c: {  	s6 =	simm.s32 $0x0;
	s20 =	sshll.u32 s4, $0x1;
	s4 =	sadd.s32 s21, s2  }
0x9d: {  	[timem:s6], [sflag:s22] =	dma.local [hbm:s4], s20  }
0x9e: {  	_ =	swait.ge [sflag:s22], s20  }
0x9f: {  	s3 =	ssub.s32 $0x0, s20;
	[sflag:s22] =	ssyncset.done $0x0  }
0xa0: {  	[sflag:s22] =	ssyncadd.s32 s3;
	_ =	sdelay $0x1  }
0xa1: {  	s23 =	simm.s32 $0x1B8B  }
0xa2: {  	_ =	swait.ge [sflag:s23], $0x1  }
0xa3: {  	[sflag:s23] =	ssyncset.done $0x0  }
0xa4: {  	s25 =	simm.s32 $0x1B8E;
	s24 =	sld [smem:$0x3FFE];
	[sflag:s23] =	ssyncadd.s32 $0xFFFFFFFF  }
0xa5: {  	s26 =	simm.s32 $execute0_lowered;
	[smem:$0x3FD2] =	sst s25  }
0xa6: {  	s4 =	sshll.u32 s26, $0x1;
	_ =	strace $0x80000046;
	[dreg:$0x1] =	wrdreg $0xFFFFFFFF  }
0xa7: {  	s28 =	simm.s32 $_size_execute0_lowered;
	s2 =	sadd.s32 s2, s4;
	[dreg:$0x0] =	wrdreg $0x0  }
0xa8: {  	s4 =	sshll.u32 s28, $0x1;
	[dreg:$0x2] =	wrdreg s2  }
0xa9: {  	[dreg:$0x3] =	wrdreg s4  }
0xaa: {  	[dreg:$0x4] =	wrdreg $0xC0  }
0xab: {  	_ =	task [dreg:s6], $0x5FFFF  }
0xac: {  	[dreg:$0x1] =	wrdreg $0xFFFFFFFF  }
0xad: {  	[dreg:$0x0] =	wrdreg $0x60  }
0xae: {  	[dreg:$0x2] =	wrdreg s24  }
0xaf: {  	[dreg:$0x3] =	wrdreg $0x53000  }
0xb0: {  	[dreg:$0x4] =	wrdreg $0x9  }
0xb1: {  	_ =	task.clear_ibuf [dreg:s6], $0x5FFFF;
	_ =	strace $0x90000046  }
0xb2: {  	s29 =	simm.s32 $0x9;
	_ =	strace $0x80000048  }
0xb3: {  	_ =	swait.ge [sflag:s29], $0x1  }
0xb4: {  	[sflag:s29] =	ssyncadd.s32 $0xFFFFFFFF  }
0xb5: {  	_ =	strace $0x90000048  }
0xb6: {  	_ =	sfence  }
0xb7: {  	s30 =	sld [smem:$0x0];
	_ =	sdelay $0x2  }
0xb8: {  	s31 =	sshll.u32 s1, $0xD;
	s1 =	sshrl.u32 s1, $0x2  }
0xb9: {  	s3 =	sand.u32 $0x4000, s31;
	s1 =	sadd.s32 s1, s30  }
0xba: {  	s0 =	sor.u32 s3, s0;
	s1 =	sshll.u32 s1, $0x11  }
0xbb: {  	s0 =	sor.u32 s1, s0  }
0xbc: {  	s0 =	sadd.s32 $0x8F2B, s0  }
0xbd: {  	[sflag:s0] =	ssyncadd.remote.s32 $0x1  }
0xbe: {  	_ =	sfence.sel $0xFFFF  }
0xbf: {  	[dreg:$0x0] =	wrdreg $0xFFFFFFFF;
	(pc) =	sbr.abs _section_cstart, $3  }
0xc0: {  	[dreg:$0x1] =	wrdreg $0xFFFFFFFF  }
0xc1: {  	_ =	task.clear_ibuf [dreg:s6], $0x2FFFF;
	_ =	strace $0x9FFFFFFF  }
0xc2: {  	(tm) =	ssettm $0x7FFFFFFF  }
0xc3: {  	_ =	shalt  }
tec
execute0_lowered:
.L_overlay_start_1:
0x0: {  	(tag) =	ssettag $0x1  }
0x1: {  	s4 =	rddreg [dreg:$0x0]  }
0x2: {  	s0 =	srdreg.scid;
	s1 =	rddreg [dreg:$0x1]  }
0x3: {  	s9 =	stileid.u32;
	s2 =	simm.s32 $0x0;
	s15 =	simm.s32 $0x1F40  }
0x4: {  	s16 =	simm.s32 $0x7D;
	s17 =	simm.s32 $0x4B00;
	s18 =	simm.s32 $0x2  }
0x5: {  	s19 =	simm.s32 $0x4A80;
	s5 =	sand.u32 $0x1, s0;
	s0 =	rddreg [dreg:$0x2]  }
0x6: {  	s20 =	simm.s32 $0x0;
	[smem:$0x7FF] =	sst s2;
	s10 =	sadd.s32 $0x187A00, s4  }
0x7: {  	s11 =	sshll.u32 s9, $0x8;
	s14 =	smul.u32 $0xC35, s9;
	p0 =	sne.s32 s9, $0x0  }
0x8: {  	s3 =	sshll.u32 s5, $0x4;
	_ =	strace $0x80000047;
	s8 =	sshll.u32 s5, $0xE  }
0x9: {  	s12 =	ssub.s32 $0x2, s5;
	s13 =	smul.u32 $0xC350, s5;
	s6 =	sor.u32 s9, s3  }
0xa: {  	s11 =	sadd.s32 s11, s4;
	s30 =	sshll.u32 s5, $0xC;
	s3 =	smul.u32 $0x190, s6  }
0xb: {  	s8 =	sadd.s32 s8, s4;
	s29 =	sshrl.u32 s12, $0x1;
	s6 =	smul.u32 $0x61A8, s6  }
0xc: {  	s12 =	ssub.s32 s12, s29;
	s31 =	sadd.s32 s14, s13;
	s13 =	simm.s32 $0x3  }
0xd: {  	s14 =	simm.s32 $0x1;
	s7 =	sadd.s32 s3, s4;
	s3 =	sadd.s32 $0x4200, s4  }
0xe: {  	s5 =	sadd.s32 s10, s6;
	s6 =	sadd.s32 $0x8200, s8;
	s8 =	smax.u32 s12, $0x1  }
0xf: {  	s4 =	sadd.s32 $0x1000, s7;
	s7 =	sadd.s32 s30, s11;
	s11 =	sshll.u32 s31, $0x3  }
0x10: {  	s12 =	simm.s32 $0x3E80;
	s7 =	sadd.s32 $0x10200, s7;
	s10 =	sadd.s32 s11, s10  }
0x11: {  	v0 =	vimm.f32 $0.0e+00;
	v1 =	vimm.f32 $1.000000000e+00;
	vm0 =	vcmask $0x3F0C;
	s11 =	sshrl.u32 @!p0 s1, $0x3;
	s9 =	sadd.s32 $0x7D0, s10;
	s10 =	sadd.s32 $0x3E8, s10  }
.LBB2_1:
0x12: {  	s21 =	simm.s32 @!p0 $0x1C03  }
0x13: {  	[spmem:s11], [sflag:s21] =	dma.local @!p0 [hbm:s3], $0x4000  }
0x14: {  	s21 =	simm.s32 @!p0 $0x3  }
0x15: {  	_ =	swait.ge @!p0 [sflag:s21], $0x4000  }
0x16: {  	[sflag:s21] =	ssyncset.done @!p0 $0x0  }
0x17: {  	[sflag:s21] =	ssyncadd.s32 @!p0 $0xFFFFC000  }
0x18: {  	[tilespmem:s12], [sflag:$0x3] =	stream.linear.gather [hbm4b:s4+s2], $0xC80, $0x38;
	[tilespmem:$0x7300] =	vst v63  }
0x19: {  	_ =	swait.ge [sflag:s13], $0xC80  }
0x1a: {  	[sflag:s13] =	ssyncset.done $0x0  }
0x1b: {  	s22 =	simm.s32 $0x0;
	s21 =	simm.s32 $0x40;
	[sflag:s13] =	ssyncadd.s32 $0xFFFFF380  }
.LBB2_2:
0x1c: {  	p1 =	sne.s32 s21, $0x1FC0;
	[tilespmem:s22+$0x4B00] =	vst v0;
	s22 =	smov.u32 s21;
	s21 =	sadd.s32 $0x40, s21  }
.Ltmp0:
0x1d: {  	(pc) =	sbr.rel @p1 .LBB2_2-.Ltmp0, $2  }
0x1e: {  	_ =	sdelay $0x2  }
0x1f: {  	s22 =	sshra.s32 s22, $0x2  }
0x20: {  	[tilespmem:s22+$0x4B00] =	vst v0  }
0x21: {  	s21 =	simm.s32 $0x0;
	s22 =	simm.s32 $0x3F00;
	[bflag:$0x0] =	sbarrier.arrive $0xFFFF  }
0x22: {  	[tilespmem:s21], [sflag:$0x1] =	stream.linear.gather [hbm4b:s5+s21], $0x1F40, $0x38;
	[tilespmem:$0x7300] =	vst v63  }
.LBB2_4:
0x23: {  	_ =	swait.ge [sflag:s14], $0x1F40  }
0x24: {  	[sflag:s14] =	ssyncset.done $0x0  }
0x25: {  	s23 =	sadd.s32 s21, s10;
	[sflag:s14] =	ssyncadd.s32 $0xFFFFE0C0  }
0x26: {  	[tilespmem:s15], [sflag:$0x2] =	stream.linear.gather [hbm4b:s23+s2], $0x1F40, $0x38;
	[tilespmem:$0x7300] =	vst v63  }
0x27: {  	s30 =	sadd.s32 $0xFFFFFF80, s22  }
0x28: {  	[spmem:s1] =	stream.indirect.scatter.add.f32 [tilespmem:s2], [sflag:$0x3], $0x40, s30, s16, $0xb8;
	[tilespmem:$0x7300] =	vst v63  }
0x29: {  	_ =	swait.ge [sflag:s13], $0x1F40  }
0x2a: {  	[sflag:s13] =	ssyncset.done $0x0  }
0x2b: {  	[sflag:s13] =	ssyncadd.s32 $0xFFFFE0C0  }
0x2c: {  	v2 =	vld [tilespmem:s22+$0xFFFFFF80];
	_ =	sdelay $0x7  }
0x2d: {  	[tilespmem:v2+s17+$0x0] =	vst.idx.add.f32.msk $0xffff, v1  }
0x2e: {  	v2 =	vld [tilespmem:s22+$0xFFFFFF90];
	_ =	sdelay $0x7  }
0x2f: {  	[tilespmem:v2+s17+$0x0] =	vst.idx.add.f32.msk $0xffff, v1  }
0x30: {  	v2 =	vld [tilespmem:s22+$0xFFFFFFA0];
	_ =	sdelay $0x7  }
0x31: {  	[tilespmem:v2+s17+$0x0] =	vst.idx.add.f32.msk $0xffff, v1  }
0x32: {  	v2 =	vld [tilespmem:s22+$0xFFFFFFB0];
	_ =	sdelay $0x7  }
0x33: {  	[tilespmem:v2+s17+$0x0] =	vst.idx.add.f32.msk $0xffff, v1  }
0x34: {  	v2 =	vld [tilespmem:s22+$0xFFFFFFC0];
	_ =	sdelay $0x7  }
0x35: {  	[tilespmem:v2+s17+$0x0] =	vst.idx.add.f32.msk $0xffff, v1  }
0x36: {  	v2 =	vld [tilespmem:s22+$0xFFFFFFD0];
	_ =	sdelay $0x7  }
0x37: {  	[tilespmem:v2+s17+$0x0] =	vst.idx.add.f32.msk $0xffff, v1  }
0x38: {  	v2 =	vld [tilespmem:s22+$0xFFFFFFE0];
	_ =	sdelay $0x7  }
0x39: {  	[tilespmem:v2+s17+$0x0] =	vst.idx.add.f32.msk $0xffff, v1  }
0x3a: {  	v2 =	vld [tilespmem:s22+$0xFFFFFFED];
	_ =	sdelay $0x7  }
0x3b: {  	[tilespmem:v2+s17+$0x0] =	vst.idx.add.f32.msk vm0, v1  }
0x3c: {  	_ =	swait.ge [sflag:s18], $0x1F40  }
0x3d: {  	[sflag:s18] =	ssyncset.done $0x0  }
0x3e: {  	s31 =	sadd.s32 s21, s9;
	[sflag:s18] =	ssyncadd.s32 $0xFFFFE0C0  }
0x3f: {  	[tilespmem:s2], [sflag:$0x1] =	stream.linear.gather [hbm4b:s31+s2], $0x1F40, $0x38;
	[tilespmem:$0x7300] =	vst v63  }
0x40: {  	_ = 	snop  }
0x41: {  	[spmem:s1] =	stream.indirect.scatter.add.f32 [tilespmem:s15], [sflag:$0x3], $0x40, s22, s16, $0xb8;
	[tilespmem:$0x7300] =	vst v63  }
0x42: {  	_ =	swait.ge [sflag:s13], $0x1F40  }
0x43: {  	[sflag:s13] =	ssyncset.done $0x0  }
0x44: {  	[sflag:s13] =	ssyncadd.s32 $0xFFFFE0C0  }
0x45: {  	v2 =	vld [tilespmem:s22+$0x0];
	_ =	sdelay $0x7  }
0x46: {  	[tilespmem:v2+s17+$0x0] =	vst.idx.add.f32.msk $0xffff, v1  }
0x47: {  	v2 =	vld [tilespmem:s22+$0x10];
	_ =	sdelay $0x7  }
0x48: {  	[tilespmem:v2+s17+$0x0] =	vst.idx.add.f32.msk $0xffff, v1  }
0x49: {  	v2 =	vld [tilespmem:s22+$0x20];
	_ =	sdelay $0x7  }
0x4a: {  	[tilespmem:v2+s17+$0x0] =	vst.idx.add.f32.msk $0xffff, v1  }
0x4b: {  	v2 =	vld [tilespmem:s22+$0x30];
	_ =	sdelay $0x7  }
0x4c: {  	[tilespmem:v2+s17+$0x0] =	vst.idx.add.f32.msk $0xffff, v1  }
0x4d: {  	v2 =	vld [tilespmem:s22+$0x40];
	_ =	sdelay $0x7  }
0x4e: {  	[tilespmem:v2+s17+$0x0] =	vst.idx.add.f32.msk $0xffff, v1  }
0x4f: {  	v2 =	vld [tilespmem:s22+$0x50];
	_ =	sdelay $0x7  }
0x50: {  	[tilespmem:v2+s17+$0x0] =	vst.idx.add.f32.msk $0xffff, v1  }
0x51: {  	v2 =	vld [tilespmem:s22+$0x60];
	_ =	sdelay $0x7  }
0x52: {  	[tilespmem:v2+s17+$0x0] =	vst.idx.add.f32.msk $0xffff, v1  }
0x53: {  	v2 =	vld [tilespmem:s22+$0x6D];
	_ =	sdelay $0x2  }
0x54: {  	p1 =	sne.s32 s21, $0x55F0  }
.Ltmp1:
0x55: {  	_ = 	snop;
	(pc) =	sbr.rel @p1 .LBB2_4-.Ltmp1, $2  }
0x56: {  	_ =	sdelay $0x2  }
0x57: {  	s21 =	sadd.s32 $0x7D0, s21;
	s22 =	sadd.s32 $0x100, s22;
	[tilespmem:v2+s17+$0x0] =	vst.idx.add.f32.msk vm0, v1  }
0x58: {  	_ =	swait.ge [sflag:s14], $0x1F40  }
0x59: {  	[sflag:s14] =	ssyncset.done $0x0  }
0x5a: {  	[sflag:s14] =	ssyncadd.s32 $0xFFFFE0C0  }
0x5b: {  	[spmem:s1] =	stream.indirect.scatter.add.f32 [tilespmem:s2], [sflag:$0x3], $0x40, s19, s16, $0xb8;
	[tilespmem:$0x7300] =	vst v63  }
0x5c: {  	_ =	swait.ge [sflag:s13], $0x1F40  }
0x5d: {  	[sflag:s13] =	ssyncset.done $0x0  }
0x5e: {  	[sflag:s13] =	ssyncadd.s32 $0xFFFFE0C0  }
0x5f: {  	v2 =	vld [tilespmem:$0x4A80];
	_ =	sdelay $0x7  }
0x60: {  	[tilespmem:v2+s17+$0x0] =	vst.idx.add.f32.msk $0xffff, v1  }
0x61: {  	v2 =	vld [tilespmem:$0x4A90];
	_ =	sdelay $0x7  }
0x62: {  	[tilespmem:v2+s17+$0x0] =	vst.idx.add.f32.msk $0xffff, v1  }
0x63: {  	v2 =	vld [tilespmem:$0x4AA0];
	_ =	sdelay $0x7  }
0x64: {  	[tilespmem:v2+s17+$0x0] =	vst.idx.add.f32.msk $0xffff, v1  }
0x65: {  	v2 =	vld [tilespmem:$0x4AB0];
	_ =	sdelay $0x7  }
0x66: {  	[tilespmem:v2+s17+$0x0] =	vst.idx.add.f32.msk $0xffff, v1  }
0x67: {  	v2 =	vld [tilespmem:$0x4AC0];
	_ =	sdelay $0x7  }
0x68: {  	[tilespmem:v2+s17+$0x0] =	vst.idx.add.f32.msk $0xffff, v1  }
0x69: {  	v2 =	vld [tilespmem:$0x4AD0];
	_ =	sdelay $0x7  }
0x6a: {  	[tilespmem:v2+s17+$0x0] =	vst.idx.add.f32.msk $0xffff, v1  }
0x6b: {  	v2 =	vld [tilespmem:$0x4AE0];
	_ =	sdelay $0x7  }
0x6c: {  	[tilespmem:v2+s17+$0x0] =	vst.idx.add.f32.msk $0xffff, v1  }
0x6d: {  	v2 =	vld [tilespmem:$0x4AED];
	_ =	sdelay $0x7  }
0x6e: {  	[tilespmem:v2+s17+$0x0] =	vst.idx.add.f32.msk vm0, v1  }
0x6f: {  	s21 =	simm.s32 @!p0 $0x1C03;
	[bflag:$0x0] =	sbarrier.arrive $0xFFFF  }
0x70: {  	[hbm:s6], [sflag:s21] =	dma.local @!p0 [spmem:s11], $0x4000  }
0x71: {  	s21 =	simm.s32 @!p0 $0x3  }
0x72: {  	s20 =	sadd.s32 $0x1, s20;
	_ =	swait.ge @!p0 [sflag:s21], $0x4000  }
0x73: {  	p1 =	sne.s32 s20, s8;
	[sflag:s21] =	ssyncset.done @!p0 $0x0  }
.Ltmp2:
0x74: {  	[sflag:s21] =	ssyncadd.s32 @!p0 $0xFFFFC000;
	(pc) =	sbr.rel @p1 .LBB2_1-.Ltmp2, $4  }
0x75: {  	[hbm4b:s7+s2] =	stream.linear.scatter [tilespmem:s17], [sflag:$0x3], $0x800, $0x38;
	[tilespmem:$0x7300] =	vst v63  }
0x76: {  	_ =	swait.ge [sflag:s13], $0x800  }
0x77: {  	[sflag:s13] =	ssyncset.done $0x0  }
0x78: {  	[sflag:s13] =	ssyncadd.s32 $0xFFFFF800  }
0x79: {  	_ =	sfence.sel $0x180000  }
0x7a: {  	[bflag:$0x0] =	sbarrier.arrive $0xFFFF  }
0x7b: {  	_ =	strace $0x90000047  }
0x7c: {  	s0 =	sadd.s32 @!p0 $0x100000, s0;
	[bflag:$0x2] =	sbarrier.arrive $0xFFFF  }
0x7d: {  	[sflag:s0] =	ssyncadd.tile.s32 @!p0 $0x1;
	_ =	shalt  }
.Lfunc_end2:
_tile_overlayer_lowered:
.L_overlay_start_2:
0x7e: {  	(tag) =	ssettag $0x2  }
0x7f: {  	s0 =	rddreg [dreg:$0x0];
	s2 =	stileid.u32  }
0x80: {  	s1 =	rddreg [dreg:$0x1];
	p0 =	sne.s32 s2, $0x0  }
0x81: {  	s3 =	rddreg [dreg:$0x2];
	[bflag:$0x3] =	sbarrier.arrive $0xFFFF;
	s2 =	simm.s32 @!p0 $0x1C03  }
0x82: {  	[timem:s3], [sflag:s2] =	dma.local @!p0 [hbm:s0], s1  }
0x83: {  	s0 =	simm.s32 @!p0 $0x3  }
0x84: {  	_ =	swait.ge @!p0 [sflag:s0], s1  }
0x85: {  	s1 =	ssub.s32 @!p0 $0x0, s1;
	[sflag:s0] =	ssyncset.done @!p0 $0x0  }
0x86: {  	[sflag:s0] =	ssyncadd.s32 @!p0 s1  }
0x87: {  	[bflag:$0x3] =	sbarrier.arrive $0xFFFF  }
0x88: {  	_ =	shalt  }

// kernel: kernel.8.cloned.1.call-start
scs
__scs_entry_jumppad:
0x0: {  	(pc) =	sbr.rel $0x88, $3  }
0x1: {  	(tag) =	ssettag $0x0;
	lr =	simm.s32 $0x1  }
0x2: {  	[smem:$0x3F9D] =	sst lr;
	_ =	strace $0xD0000000  }
0x3: {  	_ = 	snop  }
0x4: {  	_ = 	snop  }
0x5: {  	_ = 	snop  }
0x6: {  	_ = 	snop  }
0x7: {  	_ = 	snop  }
__scs_overlays_trampoline_lowered:
0x8: {  	[smem:$0x3FAC] =	sst s0  }
0x9: {  	[smem:$0x3FAD] =	sst s1  }
0xa: {  	[smem:$0x3FAE] =	sst s2  }
0xb: {  	[smem:$0x3FAF] =	sst s3  }
0xc: {  	[smem:$0x3FB0] =	sst s4  }
0xd: {  	[smem:$0x3FB1] =	sst s5  }
0xe: {  	[smem:$0x3FB2] =	sst s6  }
0xf: {  	[smem:$0x3FB3] =	sst s7  }
0x10: {  	[smem:$0x3FB4] =	sst s8  }
0x11: {  	[smem:$0x3FB5] =	sst s9;
	s0 =	simm.s32 @!p0 $0x0  }
0x12: {  	s1 =	sld [smem:$0x3F9B];
	s0 =	simm.s32 @p0 $0x1  }
0x13: {  	[smem:$0x3FB6] =	sst s0;
	s0 =	simm.s32 @!p1 $0x0  }
0x14: {  	s2 =	sld [smem:$0x3F9A];
	s0 =	simm.s32 @p1 $0x1  }
0x15: {  	[smem:$0x3FB7] =	sst s0;
	s0 =	simm.s32 @!p2 $0x0  }
0x16: {  	s3 =	sld [smem:$0x3FDB];
	s0 =	simm.s32 @p2 $0x1  }
0x17: {  	s4 =	simm.s32 $0x1BF5;
	[smem:$0x3FB9] =	sst s0  }
0x18: {  	s0 =	sld [smem:$0x3F9C];
	_ =	swait.ge [sflag:s4], $0x0  }
0x19: {  	s7 =	sld [smem:$0x3F9D]  }
0x1a: {  	s8 =	sadd.s32 $0xFFFFE003, lr  }
0x1b: {  	s9 =	sadd.s32 $0xFFFFFEF7, lr;
	s5 =	simm.s32 $0xFFFFFFFF;
	p2 =	slt.u32 s8, $0xFFFFF086  }
0x1c: {  	p1 =	slt.u32 s9, $0xF7A;
	s5 =	simm.s32 @!p2 $0x0  }
0x1d: {  	s5 =	simm.s32 @p1 $0x1;
	p0 =	seq.s32 s7, s2  }
0x1e: {  	s7 =	smul.u32 @!p0 $0xF7A, s2;
	p2 =	seq.s32 @!p0 s5, $0x0  }
0x1f: {  	s9 =	smul.u32 $0xF7A, s1;
	s8 =	simm.s32 @!p0 $0x1BF5;
	p2 =	por !p2, p0  }
0x20: {  	[sflag:s8] =	ssyncset.s32 @!p0 $0xFFFFF086;
	s6 =	sadd.s32 @!p0 s3, s7;
	s7 =	simm.s32 @!p0 $0x108  }
0x21: {  	s3 =	sadd.s32 s3, s9;
	s6 =	sadd.s32 @!p0 $0x88, s6;
	s7 =	simm.s32 @p2 $0x1082  }
0x22: {  	[simem:s7], [sflag:s8] =	dma.local @!p0 [hbm:s6], $0xF7A  }
0x23: {  	s9 =	sor.u32 $0xD0000000, s2;
	s6 =	simm.s32 $0x108;
	_ =	swait.ge @!p0 [sflag:s8], $0x0  }
0x24: {  	s3 =	sadd.s32 $0x88, s3;
	s6 =	simm.s32 @!p1 $0x1082;
	[sflag:s4] =	ssyncset.s32 $0xFFFFF086  }
0x25: {  	[simem:s6], [sflag:s4] =	dma.local [hbm:s3], $0xF7A  }
0x26: {  	[smem:$0x3F9D] =	sst s1;
	(tag) =	ssettag s2;
	_ =	strace s9  }
0x27: {  	s1 =	sld [smem:$0x3FAD]  }
0x28: {  	s2 =	sld [smem:$0x3FAE]  }
0x29: {  	s4 =	sld [smem:$0x3FB0]  }
0x2a: {  	p0 =	seq.s32 s5, $0x0;
	s5 =	sld [smem:$0x3FB1]  }
0x2b: {  	s6 =	sld [smem:$0x3FB2]  }
0x2c: {  	s7 =	sld [smem:$0x3FB3]  }
0x2d: {  	s3 =	simm.s32 $0x108;
	s8 =	sld [smem:$0x3FB4]  }
0x2e: {  	s3 =	simm.s32 @!p0 $0x1082;
	s9 =	sld [smem:$0x3FB5]  }
0x2f: {  	lr =	sadd.s32 s0, s3;
	s0 =	sld [smem:$0x3FAC]  }
0x30: {  	s3 =	sld [smem:$0x3FAF]  }
0x31: {  	[smem:$0x3FB8] =	sst s10  }
0x32: {  	s10 =	sld [smem:$0x3FB6];
	_ =	sdelay $0x3  }
0x33: {  	p0 =	seq.s32 s10, $0x1;
	s10 =	sld [smem:$0x3FB8];
	_ =	sdelay $0x3  }
0x34: {  	[smem:$0x3FB8] =	sst s10  }
0x35: {  	s10 =	sld [smem:$0x3FB7];
	_ =	sdelay $0x3  }
0x36: {  	p1 =	seq.s32 s10, $0x1;
	s10 =	sld [smem:$0x3FB8];
	_ =	sdelay $0x3  }
0x37: {  	[smem:$0x3FB8] =	sst s10  }
0x38: {  	s10 =	sld [smem:$0x3FB9]  }
0x39: {  	_ = 	snop;
	(pc) =	sbr.ind lr, $3  }
0x3a: {  	_ = 	snop  }
0x3b: {  	_ = 	snop  }
0x3c: {  	p2 =	seq.s32 s10, $0x1;
	s10 =	sld [smem:$0x3FB8]  }
0x3d: {  	_ =	shalt  }
0x3e: {  	_ =	shalt  }
0x3f: {  	_ =	shalt  }
0x40: {  	_ =	shalt  }
0x41: {  	_ =	shalt  }
0x42: {  	_ =	shalt  }
0x43: {  	_ =	shalt  }
0x44: {  	_ =	shalt  }
0x45: {  	_ =	shalt  }
0x46: {  	_ =	shalt  }
0x47: {  	_ =	shalt  }
0x48: {  	_ =	shalt  }
0x49: {  	_ =	shalt  }
0x4a: {  	_ =	shalt  }
0x4b: {  	_ =	shalt  }
0x4c: {  	_ =	shalt  }
0x4d: {  	_ =	shalt  }
0x4e: {  	_ =	shalt  }
0x4f: {  	_ =	shalt  }
0x50: {  	_ =	shalt  }
0x51: {  	_ =	shalt  }
0x52: {  	_ =	shalt  }
0x53: {  	_ =	shalt  }
0x54: {  	_ =	shalt  }
0x55: {  	_ =	shalt  }
0x56: {  	_ =	shalt  }
0x57: {  	_ =	shalt  }
0x58: {  	_ =	shalt  }
0x59: {  	_ =	shalt  }
0x5a: {  	_ =	shalt  }
0x5b: {  	_ =	shalt  }
0x5c: {  	_ =	shalt  }
0x5d: {  	_ =	shalt  }
0x5e: {  	_ =	shalt  }
0x5f: {  	_ =	shalt  }
0x60: {  	_ =	shalt  }
0x61: {  	_ =	shalt  }
0x62: {  	_ =	shalt  }
0x63: {  	_ =	shalt  }
0x64: {  	_ =	shalt  }
0x65: {  	_ =	shalt  }
0x66: {  	_ =	shalt  }
0x67: {  	_ =	shalt  }
0x68: {  	_ =	shalt  }
0x69: {  	_ =	shalt  }
0x6a: {  	_ =	shalt  }
0x6b: {  	_ =	shalt  }
0x6c: {  	_ =	shalt  }
0x6d: {  	_ =	shalt  }
0x6e: {  	_ =	shalt  }
0x6f: {  	_ =	shalt  }
0x70: {  	_ =	shalt  }
0x71: {  	_ =	shalt  }
0x72: {  	_ =	shalt  }
0x73: {  	_ =	shalt  }
0x74: {  	_ =	shalt  }
0x75: {  	_ =	shalt  }
0x76: {  	_ =	shalt  }
0x77: {  	_ =	shalt  }
0x78: {  	_ =	shalt  }
0x79: {  	_ =	shalt  }
0x7a: {  	_ =	shalt  }
0x7b: {  	_ =	shalt  }
0x7c: {  	_ =	shalt  }
0x7d: {  	_ =	shalt  }
0x7e: {  	_ =	shalt  }
0x7f: {  	_ =	shalt  }
0x80: {  	_ =	shalt  }
0x81: {  	_ =	shalt  }
0x82: {  	_ =	shalt  }
0x83: {  	_ =	shalt  }
0x84: {  	_ =	shalt  }
0x85: {  	_ =	shalt  }
0x86: {  	_ =	shalt  }
0x87: {  	_ =	shalt  }
.Lfunc_end0:
.L_simem_size_0:
called_computation.1_lowered:
.L_overlay_start_0:
0x88: {  	s2 =	sld [smem:$0x3FD9]  }
0x89: {  	s3 =	sld [smem:$0x3FFE];
	_ =	sdelay $0x1  }
0x8a: {  	s1 =	srdreg.scid  }
0x8b: {  	s0 =	sand.u32 $0x1, s1  }
0x8c: {  	s17 =	sshll.u32 s0, $0xA;
	s2 =	sadd.s32 s3, s2  }
0x8d: {  	s2 =	sadd.s32 s2, s17  }
0x8e: {  	[smem:$0x3FC4] =	sst s2  }
0x8f: {  	_ = 	snop  }
0x90: {  	s18 =	sld [smem:$0x3FC8]  }
0x91: {  	s4 =	sld [smem:$0x3FC6];
	(tm) =	ssettm $0x1  }
0x92: {  	s19 =	sld [smem:$0x3FFB];
	_ =	sdelay $0x3  }
0x93: {  	_ =	strace s19  }
0x94: {  	s2 =	sld [smem:$0x3FFC];
	_ =	sdelay $0x3  }
0x95: {  	_ =	strace s2  }
0x96: {  	s2 =	sld [smem:$0x3FFD];
	_ =	sdelay $0x3  }
0x97: {  	_ =	strace s2  }
0x98: {  	_ =	strace $0x8FFFFFFF  }
0x99: {  	s20 =	sld [smem:$0x3FDB];
	_ =	sdelay $0x1  }
0x9a: {  	s5 =	simm.s32 $_scs_section_size  }
0x9b: {  	s6 =	simm.s32 $_size__tile_overlayer_lowered;
	s7 =	simm.s32 $_tile_overlayer_lowered  }
0x9c: {  	s8 =	simm.s32 $0x1BFF;
	s21 =	sshll.u32 s7, $0x1;
	s5 =	sadd.s32 s5, s20  }
0x9d: {  	s22 =	simm.s32 $0x0;
	s6 =	sshll.u32 s6, $0x1;
	s7 =	sadd.s32 s21, s5  }
0x9e: {  	[timem:s22], [sflag:s8] =	dma.local [hbm:s7], s6  }
0x9f: {  	_ =	swait.ge [sflag:s8], s6  }
0xa0: {  	s6 =	ssub.s32 $0x0, s6;
	[sflag:s8] =	ssyncset.done $0x0  }
0xa1: {  	[sflag:s8] =	ssyncadd.s32 s6;
	_ =	sdelay $0x1  }
0xa2: {  	s23 =	simm.s32 $0x1B8B  }
0xa3: {  	_ =	swait.ge [sflag:s23], $0x1  }
0xa4: {  	[sflag:s23] =	ssyncset.done $0x0  }
0xa5: {  	[sflag:s23] =	ssyncadd.s32 $0xFFFFFFFF  }
0xa6: {  	s6 =	sld [smem:$0x0]  }
0xa7: {  	s7 =	sand.u32 $0xFFFFFFFE, s1  }
0xa8: {  	p0 =	sne.s32 s1, s7  }
0xa9: {  	s7 =	sshll.u32 @p0 s7, $0xE  }
0xaa: {  	s7 =	sadd.s32 @p0 $0x11B8D, s7;
	s8 =	sshll.u32 @p0 s6, $0x11  }
0xab: {  	s7 =	sor.u32 @p0 s8, s7  }
0xac: {  	[sflag:s7] =	ssyncadd.remote.s32 @p0 $0x1;
	_ =	sdelay $0x1  }
0xad: {  	s7 =	simm.s32 @p0 $0x1B8D  }
0xae: {  	_ =	swait.eq @p0 [sflag:s7], $0x1  }
0xaf: {  	[sflag:s7] =	ssyncadd.s32 @p0 $0xFFFFFFFF  }
0xb0: {  	s8 =	sshll.u32 @!p0 s1, $0xE  }
0xb1: {  	s8 =	sor.u32 @!p0 $0x4000, s8;
	s7 =	simm.s32 @!p0 $0x1B8D  }
0xb2: {  	s6 =	sshll.u32 @!p0 s6, $0x11;
	s8 =	sadd.s32 @!p0 $0x11B8D, s8;
	_ =	swait.eq @!p0 [sflag:s7], $0x1  }
0xb3: {  	s6 =	sor.u32 @!p0 s6, s8;
	[sflag:s7] =	ssyncadd.s32 @!p0 $0xFFFFFFFF  }
0xb4: {  	s25 =	simm.s32 $0x1B8E;
	s24 =	sld [smem:$0x3FFE];
	[sflag:s6] =	ssyncadd.remote.s32 @!p0 $0x1  }
0xb5: {  	s26 =	simm.s32 $execute0_lowered;
	[smem:$0x3FD2] =	sst s25  }
0xb6: {  	s7 =	sshll.u32 s26, $0x1;
	_ =	strace $0x80000049;
	[dreg:$0x1] =	wrdreg $0xFFFFFFFF  }
0xb7: {  	s28 =	simm.s32 $_size_execute0_lowered;
	s5 =	sadd.s32 s5, s7;
	[dreg:$0x0] =	wrdreg $0x0  }
0xb8: {  	s7 =	sshll.u32 s28, $0x1;
	[dreg:$0x2] =	wrdreg s5  }
0xb9: {  	[dreg:$0x3] =	wrdreg s7  }
0xba: {  	[dreg:$0x4] =	wrdreg $0xC0  }
0xbb: {  	_ =	task [dreg:s22], $0x5FFFF  }
0xbc: {  	[dreg:$0x1] =	wrdreg $0xFFFFFFFF  }
0xbd: {  	[dreg:$0x0] =	wrdreg $0x60  }
0xbe: {  	[dreg:$0x2] =	wrdreg s4  }
0xbf: {  	[dreg:$0x3] =	wrdreg s18  }
0xc0: {  	[dreg:$0x4] =	wrdreg s24  }
0xc1: {  	[dreg:$0x5] =	wrdreg $0xA  }
0xc2: {  	_ =	task.clear_ibuf [dreg:s22], $0x6FFFF;
	_ =	strace $0x90000049  }
0xc3: {  	s29 =	simm.s32 $0xA;
	_ =	strace $0x8000004B  }
0xc4: {  	_ =	swait.ge [sflag:s29], $0x1  }
0xc5: {  	[sflag:s29] =	ssyncadd.s32 $0xFFFFFFFF  }
0xc6: {  	_ =	strace $0x9000004B  }
0xc7: {  	_ =	sfence  }
0xc8: {  	s30 =	sld [smem:$0x0];
	_ =	sdelay $0x2  }
0xc9: {  	s31 =	sshll.u32 s1, $0xD;
	s1 =	sshrl.u32 s1, $0x2  }
0xca: {  	s4 =	sand.u32 $0x4000, s31;
	s1 =	sadd.s32 s1, s30  }
0xcb: {  	s0 =	sor.u32 s4, s0;
	s1 =	sshll.u32 s1, $0x11  }
0xcc: {  	s0 =	sor.u32 s1, s0  }
0xcd: {  	s0 =	sadd.s32 $0x8F2B, s0  }
0xce: {  	[sflag:s0] =	ssyncadd.remote.s32 $0x1  }
0xcf: {  	_ =	sfence.sel $0xFFFF  }
0xd0: {  	[dreg:$0x0] =	wrdreg $0xFFFFFFFF;
	(pc) =	sbr.abs _section_cstart, $3  }
0xd1: {  	[dreg:$0x1] =	wrdreg $0xFFFFFFFF  }
0xd2: {  	_ =	task.clear_ibuf [dreg:s22], $0x2FFFF;
	_ =	strace $0x9FFFFFFF  }
0xd3: {  	(tm) =	ssettm $0x7FFFFFFF  }
tec
execute0_lowered:
.L_overlay_start_1:
0x0: {  	(tag) =	ssettag $0x1  }
0x1: {  	s5 =	stileid.u32  }
0x2: {  	p0 =	sne.s32 s5, $0x0  }
.Ltmp0:
0x3: {  	s1 =	rddreg [dreg:$0x0];
	(pc) =	sbr.rel @p0 .LBB2_5-.Ltmp0, $4  }
0x4: {  	s2 =	rddreg [dreg:$0x1]  }
0x5: {  	s4 =	rddreg [dreg:$0x2];
	s3 =	simm.s32 $0x0  }
0x6: {  	[smem:$0x7FF] =	sst s3  }
0x7: {  	s0 =	rddreg [dreg:$0x3];
	_ =	strace $0x8000004A  }
0x8: {  	s5 =	srdreg.scid  }
0x9: {  	s5 =	sand.u32 $0x1, s5  }
0xa: {  	s6 =	ssub.s32 $0x2, s5;
	s7 =	sshll.u32 s5, $0x6;
	s5 =	sshll.u32 s5, $0x9  }
0xb: {  	s9 =	sadd.s32 $0x186A0, s5  }
0xc: {  	v0 =	vmov s9;
	_ =	sdelay $0x1  }
0xd: {  	s8 =	sshrl.u32 s6, $0x1;
	s4 =	sadd.s32 s7, s4;
	s7 =	simm.s32 $0x186A0  }
0xe: {  	s31 =	ssub.s32 s6, s8;
	s4 =	sadd.s32 $0x12200, s4;
	s6 =	simm.s32 $0x1  }
0xf: {  	s8 =	simm.s32 $0x18AA0;
	s9 =	simm.s32 $0x0;
	s5 =	smax.u32 s31, $0x1  }
.LBB2_2:
0x10: {  	s10 =	simm.s32 $0x0  }
0x11: {  	[tilespmem:s10], [sflag:$0x1] =	stream.linear.gather [hbm4b:s1+s10], $0x186A0, $0x38;
	[tilespmem:$0x18CA0] =	vst v63  }
0x12: {  	_ =	swait.ge [sflag:s6], $0x186A0  }
0x13: {  	[sflag:s6] =	ssyncset.done $0x0  }
0x14: {  	[sflag:s6] =	ssyncadd.s32 $0xFFFE7960  }
0x15: {  	[tilespmem:s7], [sflag:$0x1] =	stream.linear.gather [hbm4b:s2+s10], $0x400, $0x38;
	[tilespmem:$0x18CA0] =	vst v63  }
0x16: {  	_ =	swait.ge [sflag:s6], $0x400  }
0x17: {  	[sflag:s6] =	ssyncset.done $0x0  }
0x18: {  	s11 =	simm.s32 $0x40;
	s10 =	simm.s32 $0x0;
	[sflag:s6] =	ssyncadd.s32 $0xFFFFFC00  }
.LBB2_3:
0x19: {  	p1 =	sne.s32 s11, $0x7C0;
	v1 =	vld.idx.msk [tilespmem:v0+s10+$0x0 ss:$0x1], $0xffff;
	_ =	sdelay $0x7  }
0x1a: {  	v1 =	vld.idx.msk [tilespmem:v1+s3+$0x0], $0xffff;
	_ =	sdelay $0x1  }
.Ltmp1:
0x1b: {  	(pc) =	sbr.rel @p1 .LBB2_3-.Ltmp1, $2  }
0x1c: {  	_ =	sdelay $0x2  }
0x1d: {  	[tilespmem:s10+$0x18AA0] =	vst v1;
	s10 =	sshra.s32 s11, $0x2;
	s11 =	sadd.s32 $0x40, s11  }
0x1e: {  	_ =	sdelay $0x3  }
0x1f: {  	v1 =	vld.idx.msk [tilespmem:v0+s10+$0x0 ss:$0x1], $0xffff;
	_ =	sdelay $0x7  }
0x20: {  	v1 =	vld.idx.msk [tilespmem:v1+s3+$0x0], $0xffff;
	_ =	sdelay $0x2  }
0x21: {  	s9 =	sadd.s32 $0x1, s9  }
0x22: {  	p1 =	sne.s32 s9, s5  }
.Ltmp2:
0x23: {  	[tilespmem:s10+$0x18AA0] =	vst v1;
	(pc) =	sbr.rel @p1 .LBB2_2-.Ltmp2, $4  }
0x24: {  	[hbm4b:s4+s3] =	stream.linear.scatter [tilespmem:s8], [sflag:$0x1], $0x200, $0x38;
	[tilespmem:$0x18CA0] =	vst v63  }
0x25: {  	_ =	swait.ge [sflag:s6], $0x200  }
0x26: {  	[sflag:s6] =	ssyncset.done $0x0  }
0x27: {  	[sflag:s6] =	ssyncadd.s32 $0xFFFFFE00  }
.LBB2_5:
0x28: {  	_ =	sfence.sel $0x180000  }
0x29: {  	[bflag:$0x0] =	sbarrier.arrive $0xFFFF  }
0x2a: {  	_ =	strace $0x9000004A  }
0x2b: {  	s0 =	sadd.s32 @!p0 $0x100000, s0;
	[bflag:$0x2] =	sbarrier.arrive $0xFFFF  }
0x2c: {  	[sflag:s0] =	ssyncadd.tile.s32 @!p0 $0x1;
	_ =	shalt  }
.Lfunc_end2:
_tile_overlayer_lowered:
.L_overlay_start_2:
0x2d: {  	(tag) =	ssettag $0x2  }
0x2e: {  	s0 =	rddreg [dreg:$0x0];
	s2 =	stileid.u32  }
0x2f: {  	s1 =	rddreg [dreg:$0x1];
	p0 =	sne.s32 s2, $0x0  }
0x30: {  	s3 =	rddreg [dreg:$0x2];
	[bflag:$0x3] =	sbarrier.arrive $0xFFFF;
	s2 =	simm.s32 @!p0 $0x1C01  }
0x31: {  	[timem:s3], [sflag:s2] =	dma.local @!p0 [hbm:s0], s1  }
0x32: {  	s0 =	simm.s32 @!p0 $0x1  }
0x33: {  	_ =	swait.ge @!p0 [sflag:s0], s1  }
0x34: {  	s1 =	ssub.s32 @!p0 $0x0, s1;
	[sflag:s0] =	ssyncset.done @!p0 $0x0  }
0x35: {  	[sflag:s0] =	ssyncadd.s32 @!p0 s1  }
0x36: {  	[bflag:$0x3] =	sbarrier.arrive $0xFFFF  }
0x37: {  	_ =	shalt  }

</sc_bundles>
